<compile_context>
chip_gen: v7x
topology: tpu7x:2x2x1
jax: 0.10.2.dev20260603
libtpu: 0.0.44.dev20260713+nightly
codegen_flags: <defaults>
</compile_context>

<pallas_src>
import functools

import numpy as np
import jax
import jax.numpy as jnp
from jax import lax
from jax.experimental import pallas as pl
from jax.experimental.pallas import tpu as pltpu
from jax.experimental.pallas import tpu_sc as plsc

_N_BINS = 15
_NC = 2
_NS = 16
_L = 16
_NW = _NC * _NS


@functools.cache
def _build_sc_hist(n):
    assert n % _L == 0
    big = ((n + _NW * _L - 1) // (_NW * _L)) * _L
    small = n - (_NW - 1) * big
    assert 0 < small <= big and small % _L == 0
    assert big * 65537 < 2**31
    n_common = small // _L
    n_extra = (big - small) // _L
    unroll = 18
    assert n_common % unroll == 0
    half1 = small
    mesh = plsc.VectorSubcoreMesh(core_axis_name="c", subcore_axis_name="s")

    @functools.partial(
        pl.kernel,
        mesh=mesh,
        compiler_params=pltpu.CompilerParams(needs_layout_passes=False),
        out_type=jax.ShapeDtypeStruct((_NW, 3 * _L), jnp.float32),
        scratch_types=[
            pltpu.VMEM((big,), jnp.float32),
            pltpu.VMEM((big,), jnp.float32),
            pltpu.VMEM((_L,), jnp.float32),
            pltpu.VMEM((_L * _L,), jnp.int32),
            pltpu.VMEM((_L * _L,), jnp.float32),
            pltpu.VMEM((3 * _L,), jnp.float32),
            pltpu.SemaphoreType.DMA,
            pltpu.SemaphoreType.DMA,
            pltpu.SemaphoreType.DMA,
            pltpu.SemaphoreType.DMA,
            pltpu.SemaphoreType.DMA,
            pltpu.SemaphoreType.DMA,
            pltpu.SemaphoreType.DMA,
        ],
    )
    def sc_hist(p_hbm, y_hbm, edges_hbm, out_hbm,
                p_v, y_v, e_v, cy_t, sp_t, res_v,
                sem_p1, sem_y1, sem_p2, sem_y2, sem_p3, sem_y3, sem_e):
        wid = lax.axis_index("c") * _NS + lax.axis_index("s")
        base = wid * big
        is_big = wid < _NW - 1

        cp_e = pltpu.async_copy(edges_hbm, e_v, sem_e)
        cp_p1 = pltpu.async_copy(
            p_hbm.at[pl.ds(base, half1)], p_v.at[pl.ds(0, half1)], sem_p1)
        cp_y1 = pltpu.async_copy(
            y_hbm.at[pl.ds(base, half1)], y_v.at[pl.ds(0, half1)], sem_y1)
        @pl.when(is_big)
        def _():
            pltpu.async_copy(
                p_hbm.at[pl.ds(base + small, big - small)],
                p_v.at[pl.ds(small, big - small)], sem_p3)
            pltpu.async_copy(
                y_hbm.at[pl.ds(base + small, big - small)],
                y_v.at[pl.ds(small, big - small)], sem_y3)

        zeros_i = jnp.zeros((_L,), jnp.int32)
        zeros_f = jnp.zeros((_L,), jnp.float32)
        for k in range(_L):
            cy_t[pl.ds(k * _L, _L)] = zeros_i
            sp_t[pl.ds(k * _L, _L)] = zeros_f

        lane_base = lax.iota(jnp.int32, _L) * _L
        cnt_one = jnp.full((_L,), 65536, jnp.int32)

        def steps_interleaved(base_v, width):
            ss = [pl.ds((base_v + u) * _L, _L) for u in range(width)]
            ps = [p_v[s] for s in ss]
            b0s = [jnp.minimum((p * 15.0).astype(jnp.int32), _N_BINS - 1)
                   for p in ps]
            los = [plsc.load_gather(e_v, [b0]) for b0 in b0s]
            ys = [y_v[s] for s in ss]
            idxs = [lane_base + jnp.where(ps[u] < los[u], b0s[u] - 1,
                                          b0s[u])
                    for u in range(width)]
            for u in range(width):
                cy = cnt_one + ys[u].astype(jnp.int32)
                plsc.addupdate_scatter(cy_t, [idxs[u]], cy)
                plsc.addupdate_scatter(sp_t, [idxs[u]], ps[u])

        def body(i, carry):
            steps_interleaved(i * unroll, unroll)
            return carry

        cp_e.wait()
        cp_p1.wait()
        cp_y1.wait()
        lax.fori_loop(0, n_common // unroll, body, jnp.int32(0))

        @pl.when(is_big)
        def _():
            pltpu.make_async_copy(
                p_hbm.at[pl.ds(base + small, big - small)],
                p_v.at[pl.ds(small, big - small)], sem_p3).wait()
            pltpu.make_async_copy(
                y_hbm.at[pl.ds(base + small, big - small)],
                y_v.at[pl.ds(small, big - small)], sem_y3).wait()
            for t in range(0, n_extra, 7):
                steps_interleaved(n_common + t, min(7, n_extra - t))

        acc_cy = cy_t[pl.ds(0, _L)]
        acc_sp = sp_t[pl.ds(0, _L)]
        for k in range(1, _L):
            acc_cy = acc_cy + cy_t[pl.ds(k * _L, _L)]
            acc_sp = acc_sp + sp_t[pl.ds(k * _L, _L)]
        res_v[pl.ds(0, _L)] = (
            lax.shift_right_logical(acc_cy, 16).astype(jnp.float32))
        res_v[pl.ds(_L, _L)] = acc_sp
        res_v[pl.ds(2 * _L, _L)] = (acc_cy & 0xFFFF).astype(jnp.float32)
        pltpu.sync_copy(res_v, out_hbm.at[wid])

    return sc_hist


@functools.cache
def _build_epilogue(n):
    def body(x_ref, o_ref):
        s = jnp.sum(x_ref[...], axis=0, keepdims=True)
        cnt = s[:, 0:_L]
        sp = s[:, _L:2 * _L]
        sy = s[:, 2 * _L:3 * _L]
        valid = lax.broadcasted_iota(jnp.int32, (1, _L), 1) < _N_BINS
        cnt = jnp.where(valid, cnt, 0.0)
        sp = jnp.where(valid, sp, 0.0)
        sy = jnp.where(valid, sy, 0.0)
        frac = jnp.sum(sy) / np.float32(n)
        e1 = 2.0 * frac
        e2 = 0.5 + frac
        safe = jnp.maximum(cnt, 1.0)
        p_mean = sp / safe
        y_mean = sy / safe
        lg = jnp.log(safe)
        nonempty = valid & (cnt > 0.0)
        w = jnp.where(nonempty, 0.5 * (jnp.exp(e1 * lg) + jnp.exp(e2 * lg)),
                      0.0)
        num = jnp.abs(p_mean - y_mean) * w
        o_ref[...] = (jnp.sum(num, axis=1, keepdims=True)
                      / jnp.sum(w, axis=1, keepdims=True))

    return pl.pallas_call(
        body, out_shape=jax.ShapeDtypeStruct((1, 1), jnp.float32))


def kernel(pred_probas, y_true):
    n = pred_probas.shape[0]
    edges = np.linspace(0.0, 1.0, _N_BINS + 1).astype(np.float32)
    assert all(np.float32(edges[b] * np.float32(_N_BINS)) == np.float32(b)
               for b in range(_N_BINS + 1))
    partials = _build_sc_hist(n)(pred_probas, y_true, jnp.asarray(edges))
    out = _build_epilogue(n)(partials)
    return out[0, 0]

# --- scband reference (transcript-rebuilt; emitter-appended) ---
"""Pipeline reference for scband-ice-strong-62448824484153 (READ-ONLY COPY).

The authoritative reference and input builder live on the scoring server;
editing this copy changes nothing except your own understanding.
"""

import jax, jax.numpy as jnp
import numpy as np

N = 1000000
N_BINS = 15


def setup_inputs(seed: int = 0) -> dict:
    key = jax.random.key(seed)
    k1, k2 = jax.random.split(key)
    pred_probas = jax.random.uniform(k1, (N,), dtype=jnp.float32)
    y_true = jax.random.randint(k2, (N,), 0, 2).astype(jnp.float32)
    return {"pred_probas": pred_probas, "y_true": y_true}


def reference(pred_probas, y_true):
    # Faithful translation of ICE_strong.forward (n_bins=15).
    bins = np.linspace(0.0, 1.0, N_BINS + 1)
    n = y_true.shape[0]
    frac_pos = y_true.sum() / n
    e1 = 2.0 * frac_pos
    e2 = 0.5 + frac_pos
    total_num = jnp.float32(0.0)
    total_w = jnp.float32(0.0)
    for b in range(N_BINS):
        bin_start = float(bins[b])
        bin_end = float(bins[b + 1])
        if bin_end == 1.0:
            bin_end = 1.01
        mask = ((pred_probas >= bin_start) & (pred_probas < bin_end)).astype(jnp.float32)
        cnt = mask.sum()
        safe_cnt = jnp.maximum(cnt, 1.0)
        p_mean = jnp.sum(pred_probas * mask) / safe_cnt
        y_mean = jnp.sum(y_true * mask) / safe_cnt
        # weight = (len**(2*frac_pos) + len**(0.5+frac_pos)) / 2; len=0 -> weight 0
        w = jnp.where(cnt > 0, (safe_cnt ** e1 + safe_cnt ** e2) / 2.0, 0.0)
        ece_bin = jnp.abs(p_mean - y_mean) * w
        # empty bins produce NaN in the original and are dropped (dropna)
        total_num = total_num + jnp.where(cnt > 0, ece_bin, 0.0)
        # sum_weights includes every bin (empty bins contribute 0)
        total_w = total_w + w
    return total_num / total_w

if __name__ == "__main__":
    import jax
    _d = setup_inputs()
    print(jax.jit(kernel)(*tuple(_d.values())))

</pallas_src>

<mosaic_0001>
#map = affine_map<(d0, d1) -> (0)>
#map1 = affine_map<(d0, d1) -> (0, 0)>
module attributes {stable_mosaic.version = 14 : i64} {
  func.func @sc_hist(%arg0: i32, %arg1: i32, %arg2: memref<1000000xf32, #tpu.memory_space<hbm>>, %arg3: memref<1000000xf32, #tpu.memory_space<hbm>>, %arg4: memref<16xf32, #tpu.memory_space<hbm>>, %arg5: memref<32x48xf32, #tpu.memory_space<hbm>>, %arg6: memref<31264xf32, #tpu.memory_space<vmem>>, %arg7: memref<31264xf32, #tpu.memory_space<vmem>>, %arg8: memref<16xf32, #tpu.memory_space<vmem>>, %arg9: memref<256xi32, #tpu.memory_space<vmem>>, %arg10: memref<256xf32, #tpu.memory_space<vmem>>, %arg11: memref<48xf32, #tpu.memory_space<vmem>>, %arg12: memref<!tpu.dma_semaphore, #tpu.memory_space<semaphore_mem>>, %arg13: memref<!tpu.dma_semaphore, #tpu.memory_space<semaphore_mem>>, %arg14: memref<!tpu.dma_semaphore, #tpu.memory_space<semaphore_mem>>, %arg15: memref<!tpu.dma_semaphore, #tpu.memory_space<semaphore_mem>>, %arg16: memref<!tpu.dma_semaphore, #tpu.memory_space<semaphore_mem>>, %arg17: memref<!tpu.dma_semaphore, #tpu.memory_space<semaphore_mem>>, %arg18: memref<!tpu.dma_semaphore, #tpu.memory_space<semaphore_mem>>) attributes {dimension_semantics = [#tpu.dimension_semantics<core_parallel>, #tpu.dimension_semantics<subcore_parallel>], iteration_bounds = array<i64: 2, 16>, scalar_prefetch = 0 : i64, scratch_operands = 13 : i64, tpu.core_type = #tpu.core_type<sc_vector_subcore>, window_params = [{transform_indices = #map}, {transform_indices = #map}, {transform_indices = #map}, {transform_indices = #map1}]} {
    %mul3A = arith.constant 16 : i32
    %mul3A_0 = arith.muli %arg0, %mul3A : i32
    %add3A = arith.addi %mul3A_0, %arg1 : i32
    %mul3A_1 = arith.constant 31264 : i32
    %mul3A_2 = arith.muli %add3A, %mul3A_1 : i32
    %lt3A = arith.constant 31 : i32
    %lt3A_3 = arith.cmpi slt, %add3A, %lt3A : i32
    tpu.enqueue_dma source(%arg4 : memref<16xf32, #tpu.memory_space<hbm>>) target(%arg8 : memref<16xf32, #tpu.memory_space<vmem>>) target_semaphore(%arg18 : memref<!tpu.dma_semaphore, #tpu.memory_space<semaphore_mem>>)
    %dma_start3A = arith.constant 0 : i32
    %dma_start3A_4 = tpu.memref_slice %arg6[%dma_start3A] : memref<31264xf32, #tpu.memory_space<vmem>> -> memref<30816xf32, #tpu.memory_space<vmem>>
    %dma_start3A_5 = tpu.memref_slice %arg2[%mul3A_2] : memref<1000000xf32, #tpu.memory_space<hbm>> -> memref<30816xf32, #tpu.memory_space<hbm>>
    %dma_start3A_6 = arith.constant 0 : i32
    %dma_start3A_7 = tpu.memref_slice %arg6[%dma_start3A_6] : memref<31264xf32, #tpu.memory_space<vmem>> -> memref<30816xf32, #tpu.memory_space<vmem>>
    %dma_start3A_8 = tpu.memref_slice %arg2[%mul3A_2] : memref<1000000xf32, #tpu.memory_space<hbm>> -> memref<30816xf32, #tpu.memory_space<hbm>>
    tpu.enqueue_dma source(%dma_start3A_8 : memref<30816xf32, #tpu.memory_space<hbm>>) target(%dma_start3A_7 : memref<30816xf32, #tpu.memory_space<vmem>>) target_semaphore(%arg12 : memref<!tpu.dma_semaphore, #tpu.memory_space<semaphore_mem>>)
    %dma_start3A_9 = arith.constant 0 : i32
    %dma_start3A_10 = tpu.memref_slice %arg7[%dma_start3A_9] : memref<31264xf32, #tpu.memory_space<vmem>> -> memref<30816xf32, #tpu.memory_space<vmem>>
    %dma_start3A_11 = tpu.memref_slice %arg3[%mul3A_2] : memref<1000000xf32, #tpu.memory_space<hbm>> -> memref<30816xf32, #tpu.memory_space<hbm>>
    %dma_start3A_12 = arith.constant 0 : i32
    %dma_start3A_13 = tpu.memref_slice %arg7[%dma_start3A_12] : memref<31264xf32, #tpu.memory_space<vmem>> -> memref<30816xf32, #tpu.memory_space<vmem>>
    %dma_start3A_14 = tpu.memref_slice %arg3[%mul3A_2] : memref<1000000xf32, #tpu.memory_space<hbm>> -> memref<30816xf32, #tpu.memory_space<hbm>>
    tpu.enqueue_dma source(%dma_start3A_14 : memref<30816xf32, #tpu.memory_space<hbm>>) target(%dma_start3A_13 : memref<30816xf32, #tpu.memory_space<vmem>>) target_semaphore(%arg13 : memref<!tpu.dma_semaphore, #tpu.memory_space<semaphore_mem>>)
    %convert_element_type3A = arith.extui %lt3A_3 : i1 to i32
    %cond3A = arith.constant 0 : i32
    %cond3A_15 = arith.cmpi ne, %convert_element_type3A, %cond3A : i32
    scf.if %cond3A_15 {
      %add3A_211 = arith.constant 30816 : i32
      %add3A_212 = arith.addi %mul3A_2, %add3A_211 : i32
      %dma_start3A_213 = arith.constant 30816 : i32
      %dma_start3A_214 = tpu.memref_slice %arg6[%dma_start3A_213] : memref<31264xf32, #tpu.memory_space<vmem>> -> memref<448xf32, #tpu.memory_space<vmem>>
      %dma_start3A_215 = tpu.memref_slice %arg2[%add3A_212] : memref<1000000xf32, #tpu.memory_space<hbm>> -> memref<448xf32, #tpu.memory_space<hbm>>
      %dma_start3A_216 = arith.constant 30816 : i32
      %dma_start3A_217 = tpu.memref_slice %arg6[%dma_start3A_216] : memref<31264xf32, #tpu.memory_space<vmem>> -> memref<448xf32, #tpu.memory_space<vmem>>
      %dma_start3A_218 = tpu.memref_slice %arg2[%add3A_212] : memref<1000000xf32, #tpu.memory_space<hbm>> -> memref<448xf32, #tpu.memory_space<hbm>>
      tpu.enqueue_dma source(%dma_start3A_218 : memref<448xf32, #tpu.memory_space<hbm>>) target(%dma_start3A_217 : memref<448xf32, #tpu.memory_space<vmem>>) target_semaphore(%arg16 : memref<!tpu.dma_semaphore, #tpu.memory_space<semaphore_mem>>)
      %add3A_219 = arith.constant 30816 : i32
      %add3A_220 = arith.addi %mul3A_2, %add3A_219 : i32
      %dma_start3A_221 = arith.constant 30816 : i32
      %dma_start3A_222 = tpu.memref_slice %arg7[%dma_start3A_221] : memref<31264xf32, #tpu.memory_space<vmem>> -> memref<448xf32, #tpu.memory_space<vmem>>
      %dma_start3A_223 = tpu.memref_slice %arg3[%add3A_220] : memref<1000000xf32, #tpu.memory_space<hbm>> -> memref<448xf32, #tpu.memory_space<hbm>>
      %dma_start3A_224 = arith.constant 30816 : i32
      %dma_start3A_225 = tpu.memref_slice %arg7[%dma_start3A_224] : memref<31264xf32, #tpu.memory_space<vmem>> -> memref<448xf32, #tpu.memory_space<vmem>>
      %dma_start3A_226 = tpu.memref_slice %arg3[%add3A_220] : memref<1000000xf32, #tpu.memory_space<hbm>> -> memref<448xf32, #tpu.memory_space<hbm>>
      tpu.enqueue_dma source(%dma_start3A_226 : memref<448xf32, #tpu.memory_space<hbm>>) target(%dma_start3A_225 : memref<448xf32, #tpu.memory_space<vmem>>) target_semaphore(%arg17 : memref<!tpu.dma_semaphore, #tpu.memory_space<semaphore_mem>>)
    } else {
    }
    %broadcast_in_dim3A = arith.constant 0 : i32
    %broadcast_in_dim3A_16 = vector.broadcast %broadcast_in_dim3A : i32 to vector<16xi32>
    %broadcast_in_dim3A_17 = arith.constant 0.000000e+00 : f32
    %broadcast_in_dim3A_18 = vector.broadcast %broadcast_in_dim3A_17 : f32 to vector<16xf32>
    %swap3A = arith.constant 0 : index
    %swap3A_19 = tpu.vector_load %arg9[%swap3A] {strides = array<i32>} : memref<256xi32, #tpu.memory_space<vmem>>, vector<16xi32>,
    tpu.vector_store %arg9[%swap3A], %broadcast_in_dim3A_16 {strides = array<i32>} : memref<256xi32, #tpu.memory_space<vmem>>, vector<16xi32>,
    %swap3A_20 = arith.constant 0 : index
    %swap3A_21 = tpu.vector_load %arg10[%swap3A_20] {strides = array<i32>} : memref<256xf32, #tpu.memory_space<vmem>>, vector<16xf32>,
    tpu.vector_store %arg10[%swap3A_20], %broadcast_in_dim3A_18 {strides = array<i32>} : memref<256xf32, #tpu.memory_space<vmem>>, vector<16xf32>,
    %swap3A_22 = arith.constant 16 : index
    %swap3A_23 = tpu.vector_load %arg9[%swap3A_22] {strides = array<i32>} : memref<256xi32, #tpu.memory_space<vmem>>, vector<16xi32>,
    tpu.vector_store %arg9[%swap3A_22], %broadcast_in_dim3A_16 {strides = array<i32>} : memref<256xi32, #tpu.memory_space<vmem>>, vector<16xi32>,
    %swap3A_24 = arith.constant 16 : index
    %swap3A_25 = tpu.vector_load %arg10[%swap3A_24] {strides = array<i32>} : memref<256xf32, #tpu.memory_space<vmem>>, vector<16xf32>,
    tpu.vector_store %arg10[%swap3A_24], %broadcast_in_dim3A_18 {strides = array<i32>} : memref<256xf32, #tpu.memory_space<vmem>>, vector<16xf32>,
    %swap3A_26 = arith.constant 32 : index
    %swap3A_27 = tpu.vector_load %arg9[%swap3A_26] {strides = array<i32>} : memref<256xi32, #tpu.memory_space<vmem>>, vector<16xi32>,
    tpu.vector_store %arg9[%swap3A_26], %broadcast_in_dim3A_16 {strides = array<i32>} : memref<256xi32, #tpu.memory_space<vmem>>, vector<16xi32>,
    %swap3A_28 = arith.constant 32 : index
    %swap3A_29 = tpu.vector_load %arg10[%swap3A_28] {strides = array<i32>} : memref<256xf32, #tpu.memory_space<vmem>>, vector<16xf32>,
    tpu.vector_store %arg10[%swap3A_28], %broadcast_in_dim3A_18 {strides = array<i32>} : memref<256xf32, #tpu.memory_space<vmem>>, vector<16xf32>,
    %swap3A_30 = arith.constant 48 : index
    %swap3A_31 = tpu.vector_load %arg9[%swap3A_30] {strides = array<i32>} : memref<256xi32, #tpu.memory_space<vmem>>, vector<16xi32>,
    tpu.vector_store %arg9[%swap3A_30], %broadcast_in_dim3A_16 {strides = array<i32>} : memref<256xi32, #tpu.memory_space<vmem>>, vector<16xi32>,
    %swap3A_32 = arith.constant 48 : index
    %swap3A_33 = tpu.vector_load %arg10[%swap3A_32] {strides = array<i32>} : memref<256xf32, #tpu.memory_space<vmem>>, vector<16xf32>,
    tpu.vector_store %arg10[%swap3A_32], %broadcast_in_dim3A_18 {strides = array<i32>} : memref<256xf32, #tpu.memory_space<vmem>>, vector<16xf32>,
    %swap3A_34 = arith.constant 64 : index
    %swap3A_35 = tpu.vector_load %arg9[%swap3A_34] {strides = array<i32>} : memref<256xi32, #tpu.memory_space<vmem>>, vector<16xi32>,
    tpu.vector_store %arg9[%swap3A_34], %broadcast_in_dim3A_16 {strides = array<i32>} : memref<256xi32, #tpu.memory_space<vmem>>, vector<16xi32>,
    %swap3A_36 = arith.constant 64 : index
    %swap3A_37 = tpu.vector_load %arg10[%swap3A_36] {strides = array<i32>} : memref<256xf32, #tpu.memory_space<vmem>>, vector<16xf32>,
    tpu.vector_store %arg10[%swap3A_36], %broadcast_in_dim3A_18 {strides = array<i32>} : memref<256xf32, #tpu.memory_space<vmem>>, vector<16xf32>,
    %swap3A_38 = arith.constant 80 : index
    %swap3A_39 = tpu.vector_load %arg9[%swap3A_38] {strides = array<i32>} : memref<256xi32, #tpu.memory_space<vmem>>, vector<16xi32>,
    tpu.vector_store %arg9[%swap3A_38], %broadcast_in_dim3A_16 {strides = array<i32>} : memref<256xi32, #tpu.memory_space<vmem>>, vector<16xi32>,
    %swap3A_40 = arith.constant 80 : index
    %swap3A_41 = tpu.vector_load %arg10[%swap3A_40] {strides = array<i32>} : memref<256xf32, #tpu.memory_space<vmem>>, vector<16xf32>,
    tpu.vector_store %arg10[%swap3A_40], %broadcast_in_dim3A_18 {strides = array<i32>} : memref<256xf32, #tpu.memory_space<vmem>>, vector<16xf32>,
    %swap3A_42 = arith.constant 96 : index
    %swap3A_43 = tpu.vector_load %arg9[%swap3A_42] {strides = array<i32>} : memref<256xi32, #tpu.memory_space<vmem>>, vector<16xi32>,
    tpu.vector_store %arg9[%swap3A_42], %broadcast_in_dim3A_16 {strides = array<i32>} : memref<256xi32, #tpu.memory_space<vmem>>, vector<16xi32>,
    %swap3A_44 = arith.constant 96 : index
    %swap3A_45 = tpu.vector_load %arg10[%swap3A_44] {strides = array<i32>} : memref<256xf32, #tpu.memory_space<vmem>>, vector<16xf32>,
    tpu.vector_store %arg10[%swap3A_44], %broadcast_in_dim3A_18 {strides = array<i32>} : memref<256xf32, #tpu.memory_space<vmem>>, vector<16xf32>,
    %swap3A_46 = arith.constant 112 : index
    %swap3A_47 = tpu.vector_load %arg9[%swap3A_46] {strides = array<i32>} : memref<256xi32, #tpu.memory_space<vmem>>, vector<16xi32>,
    tpu.vector_store %arg9[%swap3A_46], %broadcast_in_dim3A_16 {strides = array<i32>} : memref<256xi32, #tpu.memory_space<vmem>>, vector<16xi32>,
    %swap3A_48 = arith.constant 112 : index
    %swap3A_49 = tpu.vector_load %arg10[%swap3A_48] {strides = array<i32>} : memref<256xf32, #tpu.memory_space<vmem>>, vector<16xf32>,
    tpu.vector_store %arg10[%swap3A_48], %broadcast_in_dim3A_18 {strides = array<i32>} : memref<256xf32, #tpu.memory_space<vmem>>, vector<16xf32>,
    %swap3A_50 = arith.constant 128 : index
    %swap3A_51 = tpu.vector_load %arg9[%swap3A_50] {strides = array<i32>} : memref<256xi32, #tpu.memory_space<vmem>>, vector<16xi32>,
    tpu.vector_store %arg9[%swap3A_50], %broadcast_in_dim3A_16 {strides = array<i32>} : memref<256xi32, #tpu.memory_space<vmem>>, vector<16xi32>,
    %swap3A_52 = arith.constant 128 : index
    %swap3A_53 = tpu.vector_load %arg10[%swap3A_52] {strides = array<i32>} : memref<256xf32, #tpu.memory_space<vmem>>, vector<16xf32>,
    tpu.vector_store %arg10[%swap3A_52], %broadcast_in_dim3A_18 {strides = array<i32>} : memref<256xf32, #tpu.memory_space<vmem>>, vector<16xf32>,
    %swap3A_54 = arith.constant 144 : index
    %swap3A_55 = tpu.vector_load %arg9[%swap3A_54] {strides = array<i32>} : memref<256xi32, #tpu.memory_space<vmem>>, vector<16xi32>,
    tpu.vector_store %arg9[%swap3A_54], %broadcast_in_dim3A_16 {strides = array<i32>} : memref<256xi32, #tpu.memory_space<vmem>>, vector<16xi32>,
    %swap3A_56 = arith.constant 144 : index
    %swap3A_57 = tpu.vector_load %arg10[%swap3A_56] {strides = array<i32>} : memref<256xf32, #tpu.memory_space<vmem>>, vector<16xf32>,
    tpu.vector_store %arg10[%swap3A_56], %broadcast_in_dim3A_18 {strides = array<i32>} : memref<256xf32, #tpu.memory_space<vmem>>, vector<16xf32>,
    %swap3A_58 = arith.constant 160 : index
    %swap3A_59 = tpu.vector_load %arg9[%swap3A_58] {strides = array<i32>} : memref<256xi32, #tpu.memory_space<vmem>>, vector<16xi32>,
    tpu.vector_store %arg9[%swap3A_58], %broadcast_in_dim3A_16 {strides = array<i32>} : memref<256xi32, #tpu.memory_space<vmem>>, vector<16xi32>,
    %swap3A_60 = arith.constant 160 : index
    %swap3A_61 = tpu.vector_load %arg10[%swap3A_60] {strides = array<i32>} : memref<256xf32, #tpu.memory_space<vmem>>, vector<16xf32>,
    tpu.vector_store %arg10[%swap3A_60], %broadcast_in_dim3A_18 {strides = array<i32>} : memref<256xf32, #tpu.memory_space<vmem>>, vector<16xf32>,
    %swap3A_62 = arith.constant 176 : index
    %swap3A_63 = tpu.vector_load %arg9[%swap3A_62] {strides = array<i32>} : memref<256xi32, #tpu.memory_space<vmem>>, vector<16xi32>,
    tpu.vector_store %arg9[%swap3A_62], %broadcast_in_dim3A_16 {strides = array<i32>} : memref<256xi32, #tpu.memory_space<vmem>>, vector<16xi32>,
    %swap3A_64 = arith.constant 176 : index
    %swap3A_65 = tpu.vector_load %arg10[%swap3A_64] {strides = array<i32>} : memref<256xf32, #tpu.memory_space<vmem>>, vector<16xf32>,
    tpu.vector_store %arg10[%swap3A_64], %broadcast_in_dim3A_18 {strides = array<i32>} : memref<256xf32, #tpu.memory_space<vmem>>, vector<16xf32>,
    %swap3A_66 = arith.constant 192 : index
    %swap3A_67 = tpu.vector_load %arg9[%swap3A_66] {strides = array<i32>} : memref<256xi32, #tpu.memory_space<vmem>>, vector<16xi32>,
    tpu.vector_store %arg9[%swap3A_66], %broadcast_in_dim3A_16 {strides = array<i32>} : memref<256xi32, #tpu.memory_space<vmem>>, vector<16xi32>,
    %swap3A_68 = arith.constant 192 : index
    %swap3A_69 = tpu.vector_load %arg10[%swap3A_68] {strides = array<i32>} : memref<256xf32, #tpu.memory_space<vmem>>, vector<16xf32>,
    tpu.vector_store %arg10[%swap3A_68], %broadcast_in_dim3A_18 {strides = array<i32>} : memref<256xf32, #tpu.memory_space<vmem>>, vector<16xf32>,
    %swap3A_70 = arith.constant 208 : index
    %swap3A_71 = tpu.vector_load %arg9[%swap3A_70] {strides = array<i32>} : memref<256xi32, #tpu.memory_space<vmem>>, vector<16xi32>,
    tpu.vector_store %arg9[%swap3A_70], %broadcast_in_dim3A_16 {strides = array<i32>} : memref<256xi32, #tpu.memory_space<vmem>>, vector<16xi32>,
    %swap3A_72 = arith.constant 208 : index
    %swap3A_73 = tpu.vector_load %arg10[%swap3A_72] {strides = array<i32>} : memref<256xf32, #tpu.memory_space<vmem>>, vector<16xf32>,
    tpu.vector_store %arg10[%swap3A_72], %broadcast_in_dim3A_18 {strides = array<i32>} : memref<256xf32, #tpu.memory_space<vmem>>, vector<16xf32>,
    %swap3A_74 = arith.constant 224 : index
    %swap3A_75 = tpu.vector_load %arg9[%swap3A_74] {strides = array<i32>} : memref<256xi32, #tpu.memory_space<vmem>>, vector<16xi32>,
    tpu.vector_store %arg9[%swap3A_74], %broadcast_in_dim3A_16 {strides = array<i32>} : memref<256xi32, #tpu.memory_space<vmem>>, vector<16xi32>,
    %swap3A_76 = arith.constant 224 : index
    %swap3A_77 = tpu.vector_load %arg10[%swap3A_76] {strides = array<i32>} : memref<256xf32, #tpu.memory_space<vmem>>, vector<16xf32>,
    tpu.vector_store %arg10[%swap3A_76], %broadcast_in_dim3A_18 {strides = array<i32>} : memref<256xf32, #tpu.memory_space<vmem>>, vector<16xf32>,
    %swap3A_78 = arith.constant 240 : index
    %swap3A_79 = tpu.vector_load %arg9[%swap3A_78] {strides = array<i32>} : memref<256xi32, #tpu.memory_space<vmem>>, vector<16xi32>,
    tpu.vector_store %arg9[%swap3A_78], %broadcast_in_dim3A_16 {strides = array<i32>} : memref<256xi32, #tpu.memory_space<vmem>>, vector<16xi32>,
    %swap3A_80 = arith.constant 240 : index
    %swap3A_81 = tpu.vector_load %arg10[%swap3A_80] {strides = array<i32>} : memref<256xf32, #tpu.memory_space<vmem>>, vector<16xf32>,
    tpu.vector_store %arg10[%swap3A_80], %broadcast_in_dim3A_18 {strides = array<i32>} : memref<256xf32, #tpu.memory_space<vmem>>, vector<16xf32>,
    %iota3A = tpu.iota {dimensions = array<i32: 0>} : vector<16xi32>
    %mul3A_82 = arith.constant 16 : i32
    %mul3A_83 = vector.broadcast %mul3A_82 : i32 to vector<16xi32>
    %mul3A_84 = arith.muli %iota3A, %mul3A_83 : vector<16xi32>
    %broadcast_in_dim3A_85 = arith.constant 65536 : i32
    %broadcast_in_dim3A_86 = vector.broadcast %broadcast_in_dim3A_85 : i32 to vector<16xi32>
    tpu.wait_dma2 semaphore(%arg18 : memref<!tpu.dma_semaphore, #tpu.memory_space<semaphore_mem>>) src(%arg4 : memref<16xf32, #tpu.memory_space<hbm>>) dst(%arg8 : memref<16xf32, #tpu.memory_space<vmem>>)
    %dma_wait3A = arith.constant 0 : i32
    %dma_wait3A_87 = tpu.memref_slice %arg6[%dma_wait3A] : memref<31264xf32, #tpu.memory_space<vmem>> -> memref<30816xf32, #tpu.memory_space<vmem>>
    %dma_wait3A_88 = tpu.memref_slice %arg2[%mul3A_2] : memref<1000000xf32, #tpu.memory_space<hbm>> -> memref<30816xf32, #tpu.memory_space<hbm>>
    %dma_wait3A_89 = arith.constant 0 : i32
    %dma_wait3A_90 = tpu.memref_slice %arg6[%dma_wait3A_89] : memref<31264xf32, #tpu.memory_space<vmem>> -> memref<30816xf32, #tpu.memory_space<vmem>>
    %dma_wait3A_91 = tpu.memref_slice %arg2[%mul3A_2] : memref<1000000xf32, #tpu.memory_space<hbm>> -> memref<30816xf32, #tpu.memory_space<hbm>>
    tpu.wait_dma2 semaphore(%arg12 : memref<!tpu.dma_semaphore, #tpu.memory_space<semaphore_mem>>) src(%dma_wait3A_91 : memref<30816xf32, #tpu.memory_space<hbm>>) dst(%dma_wait3A_90 : memref<30816xf32, #tpu.memory_space<vmem>>)
    %dma_wait3A_92 = arith.constant 0 : i32
    %dma_wait3A_93 = tpu.memref_slice %arg7[%dma_wait3A_92] : memref<31264xf32, #tpu.memory_space<vmem>> -> memref<30816xf32, #tpu.memory_space<vmem>>
    %dma_wait3A_94 = tpu.memref_slice %arg3[%mul3A_2] : memref<1000000xf32, #tpu.memory_space<hbm>> -> memref<30816xf32, #tpu.memory_space<hbm>>
    %dma_wait3A_95 = arith.constant 0 : i32
    %dma_wait3A_96 = tpu.memref_slice %arg7[%dma_wait3A_95] : memref<31264xf32, #tpu.memory_space<vmem>> -> memref<30816xf32, #tpu.memory_space<vmem>>
    %dma_wait3A_97 = tpu.memref_slice %arg3[%mul3A_2] : memref<1000000xf32, #tpu.memory_space<hbm>> -> memref<30816xf32, #tpu.memory_space<hbm>>
    tpu.wait_dma2 semaphore(%arg13 : memref<!tpu.dma_semaphore, #tpu.memory_space<semaphore_mem>>) src(%dma_wait3A_97 : memref<30816xf32, #tpu.memory_space<hbm>>) dst(%dma_wait3A_96 : memref<30816xf32, #tpu.memory_space<vmem>>)
    %scan3A = arith.constant 0 : i32
    %scan3A_98 = arith.constant 0 : i32
    %scan3A_99 = arith.constant 107 : i32
    %scan3A_100 = arith.addi %scan3A_98, %scan3A_99 : i32
    %scan3A_101 = arith.constant 1 : i32
    scf.for %scan3A_211 = %scan3A_98 to %scan3A_100 step %scan3A_101  : i32 {
      %mul3A_212 = arith.constant 18 : i32
      %mul3A_213 = arith.muli %scan3A_211, %mul3A_212 : i32
      %add3A_214 = arith.constant 0 : i32
      %add3A_215 = arith.addi %mul3A_213, %add3A_214 : i32
      %mul3A_216 = arith.constant 16 : i32
      %mul3A_217 = arith.muli %add3A_215, %mul3A_216 : i32
      %add3A_218 = arith.constant 1 : i32
      %add3A_219 = arith.addi %mul3A_213, %add3A_218 : i32
      %mul3A_220 = arith.constant 16 : i32
      %mul3A_221 = arith.muli %add3A_219, %mul3A_220 : i32
      %add3A_222 = arith.constant 2 : i32
      %add3A_223 = arith.addi %mul3A_213, %add3A_222 : i32
      %mul3A_224 = arith.constant 16 : i32
      %mul3A_225 = arith.muli %add3A_223, %mul3A_224 : i32
      %add3A_226 = arith.constant 3 : i32
      %add3A_227 = arith.addi %mul3A_213, %add3A_226 : i32
      %mul3A_228 = arith.constant 16 : i32
      %mul3A_229 = arith.muli %add3A_227, %mul3A_228 : i32
      %add3A_230 = arith.constant 4 : i32
      %add3A_231 = arith.addi %mul3A_213, %add3A_230 : i32
      %mul3A_232 = arith.constant 16 : i32
      %mul3A_233 = arith.muli %add3A_231, %mul3A_232 : i32
      %add3A_234 = arith.constant 5 : i32
      %add3A_235 = arith.addi %mul3A_213, %add3A_234 : i32
      %mul3A_236 = arith.constant 16 : i32
      %mul3A_237 = arith.muli %add3A_235, %mul3A_236 : i32
      %add3A_238 = arith.constant 6 : i32
      %add3A_239 = arith.addi %mul3A_213, %add3A_238 : i32
      %mul3A_240 = arith.constant 16 : i32
      %mul3A_241 = arith.muli %add3A_239, %mul3A_240 : i32
      %add3A_242 = arith.constant 7 : i32
      %add3A_243 = arith.addi %mul3A_213, %add3A_242 : i32
      %mul3A_244 = arith.constant 16 : i32
      %mul3A_245 = arith.muli %add3A_243, %mul3A_244 : i32
      %add3A_246 = arith.constant 8 : i32
      %add3A_247 = arith.addi %mul3A_213, %add3A_246 : i32
      %mul3A_248 = arith.constant 16 : i32
      %mul3A_249 = arith.muli %add3A_247, %mul3A_248 : i32
      %add3A_250 = arith.constant 9 : i32
      %add3A_251 = arith.addi %mul3A_213, %add3A_250 : i32
      %mul3A_252 = arith.constant 16 : i32
      %mul3A_253 = arith.muli %add3A_251, %mul3A_252 : i32
      %add3A_254 = arith.constant 10 : i32
      %add3A_255 = arith.addi %mul3A_213, %add3A_254 : i32
      %mul3A_256 = arith.constant 16 : i32
      %mul3A_257 = arith.muli %add3A_255, %mul3A_256 : i32
      %add3A_258 = arith.constant 11 : i32
      %add3A_259 = arith.addi %mul3A_213, %add3A_258 : i32
      %mul3A_260 = arith.constant 16 : i32
      %mul3A_261 = arith.muli %add3A_259, %mul3A_260 : i32
      %add3A_262 = arith.constant 12 : i32
      %add3A_263 = arith.addi %mul3A_213, %add3A_262 : i32
      %mul3A_264 = arith.constant 16 : i32
      %mul3A_265 = arith.muli %add3A_263, %mul3A_264 : i32
      %add3A_266 = arith.constant 13 : i32
      %add3A_267 = arith.addi %mul3A_213, %add3A_266 : i32
      %mul3A_268 = arith.constant 16 : i32
      %mul3A_269 = arith.muli %add3A_267, %mul3A_268 : i32
      %add3A_270 = arith.constant 14 : i32
      %add3A_271 = arith.addi %mul3A_213, %add3A_270 : i32
      %mul3A_272 = arith.constant 16 : i32
      %mul3A_273 = arith.muli %add3A_271, %mul3A_272 : i32
      %add3A_274 = arith.constant 15 : i32
      %add3A_275 = arith.addi %mul3A_213, %add3A_274 : i32
      %mul3A_276 = arith.constant 16 : i32
      %mul3A_277 = arith.muli %add3A_275, %mul3A_276 : i32
      %add3A_278 = arith.constant 16 : i32
      %add3A_279 = arith.addi %mul3A_213, %add3A_278 : i32
      %mul3A_280 = arith.constant 16 : i32
      %mul3A_281 = arith.muli %add3A_279, %mul3A_280 : i32
      %add3A_282 = arith.constant 17 : i32
      %add3A_283 = arith.addi %mul3A_213, %add3A_282 : i32
      %mul3A_284 = arith.constant 16 : i32
      %mul3A_285 = arith.muli %add3A_283, %mul3A_284 : i32
      %get3A_286 = arith.index_cast %mul3A_217 : i32 to index
      %get3A_287 = tpu.vector_load %arg6[%get3A_286] {strides = array<i32>} : memref<31264xf32, #tpu.memory_space<vmem>>, vector<16xf32>,
      %get3A_288 = arith.index_cast %mul3A_221 : i32 to index
      %get3A_289 = tpu.vector_load %arg6[%get3A_288] {strides = array<i32>} : memref<31264xf32, #tpu.memory_space<vmem>>, vector<16xf32>,
      %get3A_290 = arith.index_cast %mul3A_225 : i32 to index
      %get3A_291 = tpu.vector_load %arg6[%get3A_290] {strides = array<i32>} : memref<31264xf32, #tpu.memory_space<vmem>>, vector<16xf32>,
      %get3A_292 = arith.index_cast %mul3A_229 : i32 to index
      %get3A_293 = tpu.vector_load %arg6[%get3A_292] {strides = array<i32>} : memref<31264xf32, #tpu.memory_space<vmem>>, vector<16xf32>,
      %get3A_294 = arith.index_cast %mul3A_233 : i32 to index
      %get3A_295 = tpu.vector_load %arg6[%get3A_294] {strides = array<i32>} : memref<31264xf32, #tpu.memory_space<vmem>>, vector<16xf32>,
      %get3A_296 = arith.index_cast %mul3A_237 : i32 to index
      %get3A_297 = tpu.vector_load %arg6[%get3A_296] {strides = array<i32>} : memref<31264xf32, #tpu.memory_space<vmem>>, vector<16xf32>,
      %get3A_298 = arith.index_cast %mul3A_241 : i32 to index
      %get3A_299 = tpu.vector_load %arg6[%get3A_298] {strides = array<i32>} : memref<31264xf32, #tpu.memory_space<vmem>>, vector<16xf32>,
      %get3A_300 = arith.index_cast %mul3A_245 : i32 to index
      %get3A_301 = tpu.vector_load %arg6[%get3A_300] {strides = array<i32>} : memref<31264xf32, #tpu.memory_space<vmem>>, vector<16xf32>,
      %get3A_302 = arith.index_cast %mul3A_249 : i32 to index
      %get3A_303 = tpu.vector_load %arg6[%get3A_302] {strides = array<i32>} : memref<31264xf32, #tpu.memory_space<vmem>>, vector<16xf32>,
      %get3A_304 = arith.index_cast %mul3A_253 : i32 to index
      %get3A_305 = tpu.vector_load %arg6[%get3A_304] {strides = array<i32>} : memref<31264xf32, #tpu.memory_space<vmem>>, vector<16xf32>,
      %get3A_306 = arith.index_cast %mul3A_257 : i32 to index
      %get3A_307 = tpu.vector_load %arg6[%get3A_306] {strides = array<i32>} : memref<31264xf32, #tpu.memory_space<vmem>>, vector<16xf32>,
      %get3A_308 = arith.index_cast %mul3A_261 : i32 to index
      %get3A_309 = tpu.vector_load %arg6[%get3A_308] {strides = array<i32>} : memref<31264xf32, #tpu.memory_space<vmem>>, vector<16xf32>,
      %get3A_310 = arith.index_cast %mul3A_265 : i32 to index
      %get3A_311 = tpu.vector_load %arg6[%get3A_310] {strides = array<i32>} : memref<31264xf32, #tpu.memory_space<vmem>>, vector<16xf32>,
      %get3A_312 = arith.index_cast %mul3A_269 : i32 to index
      %get3A_313 = tpu.vector_load %arg6[%get3A_312] {strides = array<i32>} : memref<31264xf32, #tpu.memory_space<vmem>>, vector<16xf32>,
      %get3A_314 = arith.index_cast %mul3A_273 : i32 to index
      %get3A_315 = tpu.vector_load %arg6[%get3A_314] {strides = array<i32>} : memref<31264xf32, #tpu.memory_space<vmem>>, vector<16xf32>,
      %get3A_316 = arith.index_cast %mul3A_277 : i32 to index
      %get3A_317 = tpu.vector_load %arg6[%get3A_316] {strides = array<i32>} : memref<31264xf32, #tpu.memory_space<vmem>>, vector<16xf32>,
      %get3A_318 = arith.index_cast %mul3A_281 : i32 to index
      %get3A_319 = tpu.vector_load %arg6[%get3A_318] {strides = array<i32>} : memref<31264xf32, #tpu.memory_space<vmem>>, vector<16xf32>,
      %get3A_320 = arith.index_cast %mul3A_285 : i32 to index
      %get3A_321 = tpu.vector_load %arg6[%get3A_320] {strides = array<i32>} : memref<31264xf32, #tpu.memory_space<vmem>>, vector<16xf32>,
      %mul3A_322 = arith.constant 1.500000e+01 : f32
      %mul3A_323 = vector.broadcast %mul3A_322 : f32 to vector<16xf32>
      %mul3A_324 = arith.mulf %get3A_287, %mul3A_323 : vector<16xf32>
      %convert_element_type3A_325 = arith.fptosi %mul3A_324 : vector<16xf32> to vector<16xi32>
      %min3A = arith.constant 14 : i32
      %min3A_326 = vector.broadcast %min3A : i32 to vector<16xi32>
      %min3A_327 = arith.minsi %convert_element_type3A_325, %min3A_326 : vector<16xi32>
      %mul3A_328 = arith.constant 1.500000e+01 : f32
      %mul3A_329 = vector.broadcast %mul3A_328 : f32 to vector<16xf32>
      %mul3A_330 = arith.mulf %get3A_289, %mul3A_329 : vector<16xf32>
      %convert_element_type3A_331 = arith.fptosi %mul3A_330 : vector<16xf32> to vector<16xi32>
      %min3A_332 = arith.constant 14 : i32
      %min3A_333 = vector.broadcast %min3A_332 : i32 to vector<16xi32>
      %min3A_334 = arith.minsi %convert_element_type3A_331, %min3A_333 : vector<16xi32>
      %mul3A_335 = arith.constant 1.500000e+01 : f32
      %mul3A_336 = vector.broadcast %mul3A_335 : f32 to vector<16xf32>
      %mul3A_337 = arith.mulf %get3A_291, %mul3A_336 : vector<16xf32>
      %convert_element_type3A_338 = arith.fptosi %mul3A_337 : vector<16xf32> to vector<16xi32>
      %min3A_339 = arith.constant 14 : i32
      %min3A_340 = vector.broadcast %min3A_339 : i32 to vector<16xi32>
      %min3A_341 = arith.minsi %convert_element_type3A_338, %min3A_340 : vector<16xi32>
      %mul3A_342 = arith.constant 1.500000e+01 : f32
      %mul3A_343 = vector.broadcast %mul3A_342 : f32 to vector<16xf32>
      %mul3A_344 = arith.mulf %get3A_293, %mul3A_343 : vector<16xf32>
      %convert_element_type3A_345 = arith.fptosi %mul3A_344 : vector<16xf32> to vector<16xi32>
      %min3A_346 = arith.constant 14 : i32
      %min3A_347 = vector.broadcast %min3A_346 : i32 to vector<16xi32>
      %min3A_348 = arith.minsi %convert_element_type3A_345, %min3A_347 : vector<16xi32>
      %mul3A_349 = arith.constant 1.500000e+01 : f32
      %mul3A_350 = vector.broadcast %mul3A_349 : f32 to vector<16xf32>
      %mul3A_351 = arith.mulf %get3A_295, %mul3A_350 : vector<16xf32>
      %convert_element_type3A_352 = arith.fptosi %mul3A_351 : vector<16xf32> to vector<16xi32>
      %min3A_353 = arith.constant 14 : i32
      %min3A_354 = vector.broadcast %min3A_353 : i32 to vector<16xi32>
      %min3A_355 = arith.minsi %convert_element_type3A_352, %min3A_354 : vector<16xi32>
      %mul3A_356 = arith.constant 1.500000e+01 : f32
      %mul3A_357 = vector.broadcast %mul3A_356 : f32 to vector<16xf32>
      %mul3A_358 = arith.mulf %get3A_297, %mul3A_357 : vector<16xf32>
      %convert_element_type3A_359 = arith.fptosi %mul3A_358 : vector<16xf32> to vector<16xi32>
      %min3A_360 = arith.constant 14 : i32
      %min3A_361 = vector.broadcast %min3A_360 : i32 to vector<16xi32>
      %min3A_362 = arith.minsi %convert_element_type3A_359, %min3A_361 : vector<16xi32>
      %mul3A_363 = arith.constant 1.500000e+01 : f32
      %mul3A_364 = vector.broadcast %mul3A_363 : f32 to vector<16xf32>
      %mul3A_365 = arith.mulf %get3A_299, %mul3A_364 : vector<16xf32>
      %convert_element_type3A_366 = arith.fptosi %mul3A_365 : vector<16xf32> to vector<16xi32>
      %min3A_367 = arith.constant 14 : i32
      %min3A_368 = vector.broadcast %min3A_367 : i32 to vector<16xi32>
      %min3A_369 = arith.minsi %convert_element_type3A_366, %min3A_368 : vector<16xi32>
      %mul3A_370 = arith.constant 1.500000e+01 : f32
      %mul3A_371 = vector.broadcast %mul3A_370 : f32 to vector<16xf32>
      %mul3A_372 = arith.mulf %get3A_301, %mul3A_371 : vector<16xf32>
      %convert_element_type3A_373 = arith.fptosi %mul3A_372 : vector<16xf32> to vector<16xi32>
      %min3A_374 = arith.constant 14 : i32
      %min3A_375 = vector.broadcast %min3A_374 : i32 to vector<16xi32>
      %min3A_376 = arith.minsi %convert_element_type3A_373, %min3A_375 : vector<16xi32>
      %mul3A_377 = arith.constant 1.500000e+01 : f32
      %mul3A_378 = vector.broadcast %mul3A_377 : f32 to vector<16xf32>
      %mul3A_379 = arith.mulf %get3A_303, %mul3A_378 : vector<16xf32>
      %convert_element_type3A_380 = arith.fptosi %mul3A_379 : vector<16xf32> to vector<16xi32>
      %min3A_381 = arith.constant 14 : i32
      %min3A_382 = vector.broadcast %min3A_381 : i32 to vector<16xi32>
      %min3A_383 = arith.minsi %convert_element_type3A_380, %min3A_382 : vector<16xi32>
      %mul3A_384 = arith.constant 1.500000e+01 : f32
      %mul3A_385 = vector.broadcast %mul3A_384 : f32 to vector<16xf32>
      %mul3A_386 = arith.mulf %get3A_305, %mul3A_385 : vector<16xf32>
      %convert_element_type3A_387 = arith.fptosi %mul3A_386 : vector<16xf32> to vector<16xi32>
      %min3A_388 = arith.constant 14 : i32
      %min3A_389 = vector.broadcast %min3A_388 : i32 to vector<16xi32>
      %min3A_390 = arith.minsi %convert_element_type3A_387, %min3A_389 : vector<16xi32>
      %mul3A_391 = arith.constant 1.500000e+01 : f32
      %mul3A_392 = vector.broadcast %mul3A_391 : f32 to vector<16xf32>
      %mul3A_393 = arith.mulf %get3A_307, %mul3A_392 : vector<16xf32>
      %convert_element_type3A_394 = arith.fptosi %mul3A_393 : vector<16xf32> to vector<16xi32>
      %min3A_395 = arith.constant 14 : i32
      %min3A_396 = vector.broadcast %min3A_395 : i32 to vector<16xi32>
      %min3A_397 = arith.minsi %convert_element_type3A_394, %min3A_396 : vector<16xi32>
      %mul3A_398 = arith.constant 1.500000e+01 : f32
      %mul3A_399 = vector.broadcast %mul3A_398 : f32 to vector<16xf32>
      %mul3A_400 = arith.mulf %get3A_309, %mul3A_399 : vector<16xf32>
      %convert_element_type3A_401 = arith.fptosi %mul3A_400 : vector<16xf32> to vector<16xi32>
      %min3A_402 = arith.constant 14 : i32
      %min3A_403 = vector.broadcast %min3A_402 : i32 to vector<16xi32>
      %min3A_404 = arith.minsi %convert_element_type3A_401, %min3A_403 : vector<16xi32>
      %mul3A_405 = arith.constant 1.500000e+01 : f32
      %mul3A_406 = vector.broadcast %mul3A_405 : f32 to vector<16xf32>
      %mul3A_407 = arith.mulf %get3A_311, %mul3A_406 : vector<16xf32>
      %convert_element_type3A_408 = arith.fptosi %mul3A_407 : vector<16xf32> to vector<16xi32>
      %min3A_409 = arith.constant 14 : i32
      %min3A_410 = vector.broadcast %min3A_409 : i32 to vector<16xi32>
      %min3A_411 = arith.minsi %convert_element_type3A_408, %min3A_410 : vector<16xi32>
      %mul3A_412 = arith.constant 1.500000e+01 : f32
      %mul3A_413 = vector.broadcast %mul3A_412 : f32 to vector<16xf32>
      %mul3A_414 = arith.mulf %get3A_313, %mul3A_413 : vector<16xf32>
      %convert_element_type3A_415 = arith.fptosi %mul3A_414 : vector<16xf32> to vector<16xi32>
      %min3A_416 = arith.constant 14 : i32
      %min3A_417 = vector.broadcast %min3A_416 : i32 to vector<16xi32>
      %min3A_418 = arith.minsi %convert_element_type3A_415, %min3A_417 : vector<16xi32>
      %mul3A_419 = arith.constant 1.500000e+01 : f32
      %mul3A_420 = vector.broadcast %mul3A_419 : f32 to vector<16xf32>
      %mul3A_421 = arith.mulf %get3A_315, %mul3A_420 : vector<16xf32>
      %convert_element_type3A_422 = arith.fptosi %mul3A_421 : vector<16xf32> to vector<16xi32>
      %min3A_423 = arith.constant 14 : i32
      %min3A_424 = vector.broadcast %min3A_423 : i32 to vector<16xi32>
      %min3A_425 = arith.minsi %convert_element_type3A_422, %min3A_424 : vector<16xi32>
      %mul3A_426 = arith.constant 1.500000e+01 : f32
      %mul3A_427 = vector.broadcast %mul3A_426 : f32 to vector<16xf32>
      %mul3A_428 = arith.mulf %get3A_317, %mul3A_427 : vector<16xf32>
      %convert_element_type3A_429 = arith.fptosi %mul3A_428 : vector<16xf32> to vector<16xi32>
      %min3A_430 = arith.constant 14 : i32
      %min3A_431 = vector.broadcast %min3A_430 : i32 to vector<16xi32>
      %min3A_432 = arith.minsi %convert_element_type3A_429, %min3A_431 : vector<16xi32>
      %mul3A_433 = arith.constant 1.500000e+01 : f32
      %mul3A_434 = vector.broadcast %mul3A_433 : f32 to vector<16xf32>
      %mul3A_435 = arith.mulf %get3A_319, %mul3A_434 : vector<16xf32>
      %convert_element_type3A_436 = arith.fptosi %mul3A_435 : vector<16xf32> to vector<16xi32>
      %min3A_437 = arith.constant 14 : i32
      %min3A_438 = vector.broadcast %min3A_437 : i32 to vector<16xi32>
      %min3A_439 = arith.minsi %convert_element_type3A_436, %min3A_438 : vector<16xi32>
      %mul3A_440 = arith.constant 1.500000e+01 : f32
      %mul3A_441 = vector.broadcast %mul3A_440 : f32 to vector<16xf32>
      %mul3A_442 = arith.mulf %get3A_321, %mul3A_441 : vector<16xf32>
      %convert_element_type3A_443 = arith.fptosi %mul3A_442 : vector<16xf32> to vector<16xi32>
      %min3A_444 = arith.constant 14 : i32
      %min3A_445 = vector.broadcast %min3A_444 : i32 to vector<16xi32>
      %min3A_446 = arith.minsi %convert_element_type3A_443, %min3A_445 : vector<16xi32>
      %gather3A = tpu.vector_load_idx %arg8[%min3A_327] : memref<16xf32, #tpu.memory_space<vmem>>[vector<16xi32>], vector<16xf32>,
      %gather3A_447 = tpu.vector_load_idx %arg8[%min3A_334] : memref<16xf32, #tpu.memory_space<vmem>>[vector<16xi32>], vector<16xf32>,
      %gather3A_448 = tpu.vector_load_idx %arg8[%min3A_341] : memref<16xf32, #tpu.memory_space<vmem>>[vector<16xi32>], vector<16xf32>,
      %gather3A_449 = tpu.vector_load_idx %arg8[%min3A_348] : memref<16xf32, #tpu.memory_space<vmem>>[vector<16xi32>], vector<16xf32>,
      %gather3A_450 = tpu.vector_load_idx %arg8[%min3A_355] : memref<16xf32, #tpu.memory_space<vmem>>[vector<16xi32>], vector<16xf32>,
      %gather3A_451 = tpu.vector_load_idx %arg8[%min3A_362] : memref<16xf32, #tpu.memory_space<vmem>>[vector<16xi32>], vector<16xf32>,
      %gather3A_452 = tpu.vector_load_idx %arg8[%min3A_369] : memref<16xf32, #tpu.memory_space<vmem>>[vector<16xi32>], vector<16xf32>,
      %gather3A_453 = tpu.vector_load_idx %arg8[%min3A_376] : memref<16xf32, #tpu.memory_space<vmem>>[vector<16xi32>], vector<16xf32>,
      %gather3A_454 = tpu.vector_load_idx %arg8[%min3A_383] : memref<16xf32, #tpu.memory_space<vmem>>[vector<16xi32>], vector<16xf32>,
      %gather3A_455 = tpu.vector_load_idx %arg8[%min3A_390] : memref<16xf32, #tpu.memory_space<vmem>>[vector<16xi32>], vector<16xf32>,
      %gather3A_456 = tpu.vector_load_idx %arg8[%min3A_397] : memref<16xf32, #tpu.memory_space<vmem>>[vector<16xi32>], vector<16xf32>,
      %gather3A_457 = tpu.vector_load_idx %arg8[%min3A_404] : memref<16xf32, #tpu.memory_space<vmem>>[vector<16xi32>], vector<16xf32>,
      %gather3A_458 = tpu.vector_load_idx %arg8[%min3A_411] : memref<16xf32, #tpu.memory_space<vmem>>[vector<16xi32>], vector<16xf32>,
      %gather3A_459 = tpu.vector_load_idx %arg8[%min3A_418] : memref<16xf32, #tpu.memory_space<vmem>>[vector<16xi32>], vector<16xf32>,
      %gather3A_460 = tpu.vector_load_idx %arg8[%min3A_425] : memref<16xf32, #tpu.memory_space<vmem>>[vector<16xi32>], vector<16xf32>,
      %gather3A_461 = tpu.vector_load_idx %arg8[%min3A_432] : memref<16xf32, #tpu.memory_space<vmem>>[vector<16xi32>], vector<16xf32>,
      %gather3A_462 = tpu.vector_load_idx %arg8[%min3A_439] : memref<16xf32, #tpu.memory_space<vmem>>[vector<16xi32>], vector<16xf32>,
      %gather3A_463 = tpu.vector_load_idx %arg8[%min3A_446] : memref<16xf32, #tpu.memory_space<vmem>>[vector<16xi32>], vector<16xf32>,
      %get3A_464 = arith.index_cast %mul3A_217 : i32 to index
      %get3A_465 = tpu.vector_load %arg7[%get3A_464] {strides = array<i32>} : memref<31264xf32, #tpu.memory_space<vmem>>, vector<16xf32>,
      %get3A_466 = arith.index_cast %mul3A_221 : i32 to index
      %get3A_467 = tpu.vector_load %arg7[%get3A_466] {strides = array<i32>} : memref<31264xf32, #tpu.memory_space<vmem>>, vector<16xf32>,
      %get3A_468 = arith.index_cast %mul3A_225 : i32 to index
      %get3A_469 = tpu.vector_load %arg7[%get3A_468] {strides = array<i32>} : memref<31264xf32, #tpu.memory_space<vmem>>, vector<16xf32>,
      %get3A_470 = arith.index_cast %mul3A_229 : i32 to index
      %get3A_471 = tpu.vector_load %arg7[%get3A_470] {strides = array<i32>} : memref<31264xf32, #tpu.memory_space<vmem>>, vector<16xf32>,
      %get3A_472 = arith.index_cast %mul3A_233 : i32 to index
      %get3A_473 = tpu.vector_load %arg7[%get3A_472] {strides = array<i32>} : memref<31264xf32, #tpu.memory_space<vmem>>, vector<16xf32>,
      %get3A_474 = arith.index_cast %mul3A_237 : i32 to index
      %get3A_475 = tpu.vector_load %arg7[%get3A_474] {strides = array<i32>} : memref<31264xf32, #tpu.memory_space<vmem>>, vector<16xf32>,
      %get3A_476 = arith.index_cast %mul3A_241 : i32 to index
      %get3A_477 = tpu.vector_load %arg7[%get3A_476] {strides = array<i32>} : memref<31264xf32, #tpu.memory_space<vmem>>, vector<16xf32>,
      %get3A_478 = arith.index_cast %mul3A_245 : i32 to index
      %get3A_479 = tpu.vector_load %arg7[%get3A_478] {strides = array<i32>} : memref<31264xf32, #tpu.memory_space<vmem>>, vector<16xf32>,
      %get3A_480 = arith.index_cast %mul3A_249 : i32 to index
      %get3A_481 = tpu.vector_load %arg7[%get3A_480] {strides = array<i32>} : memref<31264xf32, #tpu.memory_space<vmem>>, vector<16xf32>,
      %get3A_482 = arith.index_cast %mul3A_253 : i32 to index
      %get3A_483 = tpu.vector_load %arg7[%get3A_482] {strides = array<i32>} : memref<31264xf32, #tpu.memory_space<vmem>>, vector<16xf32>,
      %get3A_484 = arith.index_cast %mul3A_257 : i32 to index
      %get3A_485 = tpu.vector_load %arg7[%get3A_484] {strides = array<i32>} : memref<31264xf32, #tpu.memory_space<vmem>>, vector<16xf32>,
      %get3A_486 = arith.index_cast %mul3A_261 : i32 to index
      %get3A_487 = tpu.vector_load %arg7[%get3A_486] {strides = array<i32>} : memref<31264xf32, #tpu.memory_space<vmem>>, vector<16xf32>,
      %get3A_488 = arith.index_cast %mul3A_265 : i32 to index
      %get3A_489 = tpu.vector_load %arg7[%get3A_488] {strides = array<i32>} : memref<31264xf32, #tpu.memory_space<vmem>>, vector<16xf32>,
      %get3A_490 = arith.index_cast %mul3A_269 : i32 to index
      %get3A_491 = tpu.vector_load %arg7[%get3A_490] {strides = array<i32>} : memref<31264xf32, #tpu.memory_space<vmem>>, vector<16xf32>,
      %get3A_492 = arith.index_cast %mul3A_273 : i32 to index
      %get3A_493 = tpu.vector_load %arg7[%get3A_492] {strides = array<i32>} : memref<31264xf32, #tpu.memory_space<vmem>>, vector<16xf32>,
      %get3A_494 = arith.index_cast %mul3A_277 : i32 to index
      %get3A_495 = tpu.vector_load %arg7[%get3A_494] {strides = array<i32>} : memref<31264xf32, #tpu.memory_space<vmem>>, vector<16xf32>,
      %get3A_496 = arith.index_cast %mul3A_281 : i32 to index
      %get3A_497 = tpu.vector_load %arg7[%get3A_496] {strides = array<i32>} : memref<31264xf32, #tpu.memory_space<vmem>>, vector<16xf32>,
      %get3A_498 = arith.index_cast %mul3A_285 : i32 to index
      %get3A_499 = tpu.vector_load %arg7[%get3A_498] {strides = array<i32>} : memref<31264xf32, #tpu.memory_space<vmem>>, vector<16xf32>,
      %lt3A_500 = arith.cmpf olt, %get3A_287, %gather3A : vector<16xf32>
      %sub3A = arith.constant 1 : i32
      %sub3A_501 = vector.broadcast %sub3A : i32 to vector<16xi32>
      %sub3A_502 = arith.subi %min3A_327, %sub3A_501 : vector<16xi32>
      %select_n3A = arith.select %lt3A_500, %sub3A_502, %min3A_327 : vector<16xi1>, vector<16xi32>
      %add3A_503 = arith.addi %mul3A_84, %select_n3A : vector<16xi32>
      %lt3A_504 = arith.cmpf olt, %get3A_289, %gather3A_447 : vector<16xf32>
      %sub3A_505 = arith.constant 1 : i32
      %sub3A_506 = vector.broadcast %sub3A_505 : i32 to vector<16xi32>
      %sub3A_507 = arith.subi %min3A_334, %sub3A_506 : vector<16xi32>
      %select_n3A_508 = arith.select %lt3A_504, %sub3A_507, %min3A_334 : vector<16xi1>, vector<16xi32>
      %add3A_509 = arith.addi %mul3A_84, %select_n3A_508 : vector<16xi32>
      %lt3A_510 = arith.cmpf olt, %get3A_291, %gather3A_448 : vector<16xf32>
      %sub3A_511 = arith.constant 1 : i32
      %sub3A_512 = vector.broadcast %sub3A_511 : i32 to vector<16xi32>
      %sub3A_513 = arith.subi %min3A_341, %sub3A_512 : vector<16xi32>
      %select_n3A_514 = arith.select %lt3A_510, %sub3A_513, %min3A_341 : vector<16xi1>, vector<16xi32>
      %add3A_515 = arith.addi %mul3A_84, %select_n3A_514 : vector<16xi32>
      %lt3A_516 = arith.cmpf olt, %get3A_293, %gather3A_449 : vector<16xf32>
      %sub3A_517 = arith.constant 1 : i32
      %sub3A_518 = vector.broadcast %sub3A_517 : i32 to vector<16xi32>
      %sub3A_519 = arith.subi %min3A_348, %sub3A_518 : vector<16xi32>
      %select_n3A_520 = arith.select %lt3A_516, %sub3A_519, %min3A_348 : vector<16xi1>, vector<16xi32>
      %add3A_521 = arith.addi %mul3A_84, %select_n3A_520 : vector<16xi32>
      %lt3A_522 = arith.cmpf olt, %get3A_295, %gather3A_450 : vector<16xf32>
      %sub3A_523 = arith.constant 1 : i32
      %sub3A_524 = vector.broadcast %sub3A_523 : i32 to vector<16xi32>
      %sub3A_525 = arith.subi %min3A_355, %sub3A_524 : vector<16xi32>
      %select_n3A_526 = arith.select %lt3A_522, %sub3A_525, %min3A_355 : vector<16xi1>, vector<16xi32>
      %add3A_527 = arith.addi %mul3A_84, %select_n3A_526 : vector<16xi32>
      %lt3A_528 = arith.cmpf olt, %get3A_297, %gather3A_451 : vector<16xf32>
      %sub3A_529 = arith.constant 1 : i32
      %sub3A_530 = vector.broadcast %sub3A_529 : i32 to vector<16xi32>
      %sub3A_531 = arith.subi %min3A_362, %sub3A_530 : vector<16xi32>
      %select_n3A_532 = arith.select %lt3A_528, %sub3A_531, %min3A_362 : vector<16xi1>, vector<16xi32>
      %add3A_533 = arith.addi %mul3A_84, %select_n3A_532 : vector<16xi32>
      %lt3A_534 = arith.cmpf olt, %get3A_299, %gather3A_452 : vector<16xf32>
      %sub3A_535 = arith.constant 1 : i32
      %sub3A_536 = vector.broadcast %sub3A_535 : i32 to vector<16xi32>
      %sub3A_537 = arith.subi %min3A_369, %sub3A_536 : vector<16xi32>
      %select_n3A_538 = arith.select %lt3A_534, %sub3A_537, %min3A_369 : vector<16xi1>, vector<16xi32>
      %add3A_539 = arith.addi %mul3A_84, %select_n3A_538 : vector<16xi32>
      %lt3A_540 = arith.cmpf olt, %get3A_301, %gather3A_453 : vector<16xf32>
      %sub3A_541 = arith.constant 1 : i32
      %sub3A_542 = vector.broadcast %sub3A_541 : i32 to vector<16xi32>
      %sub3A_543 = arith.subi %min3A_376, %sub3A_542 : vector<16xi32>
      %select_n3A_544 = arith.select %lt3A_540, %sub3A_543, %min3A_376 : vector<16xi1>, vector<16xi32>
      %add3A_545 = arith.addi %mul3A_84, %select_n3A_544 : vector<16xi32>
      %lt3A_546 = arith.cmpf olt, %get3A_303, %gather3A_454 : vector<16xf32>
      %sub3A_547 = arith.constant 1 : i32
      %sub3A_548 = vector.broadcast %sub3A_547 : i32 to vector<16xi32>
      %sub3A_549 = arith.subi %min3A_383, %sub3A_548 : vector<16xi32>
      %select_n3A_550 = arith.select %lt3A_546, %sub3A_549, %min3A_383 : vector<16xi1>, vector<16xi32>
      %add3A_551 = arith.addi %mul3A_84, %select_n3A_550 : vector<16xi32>
      %lt3A_552 = arith.cmpf olt, %get3A_305, %gather3A_455 : vector<16xf32>
      %sub3A_553 = arith.constant 1 : i32
      %sub3A_554 = vector.broadcast %sub3A_553 : i32 to vector<16xi32>
      %sub3A_555 = arith.subi %min3A_390, %sub3A_554 : vector<16xi32>
      %select_n3A_556 = arith.select %lt3A_552, %sub3A_555, %min3A_390 : vector<16xi1>, vector<16xi32>
      %add3A_557 = arith.addi %mul3A_84, %select_n3A_556 : vector<16xi32>
      %lt3A_558 = arith.cmpf olt, %get3A_307, %gather3A_456 : vector<16xf32>
      %sub3A_559 = arith.constant 1 : i32
      %sub3A_560 = vector.broadcast %sub3A_559 : i32 to vector<16xi32>
      %sub3A_561 = arith.subi %min3A_397, %sub3A_560 : vector<16xi32>
      %select_n3A_562 = arith.select %lt3A_558, %sub3A_561, %min3A_397 : vector<16xi1>, vector<16xi32>
      %add3A_563 = arith.addi %mul3A_84, %select_n3A_562 : vector<16xi32>
      %lt3A_564 = arith.cmpf olt, %get3A_309, %gather3A_457 : vector<16xf32>
      %sub3A_565 = arith.constant 1 : i32
      %sub3A_566 = vector.broadcast %sub3A_565 : i32 to vector<16xi32>
      %sub3A_567 = arith.subi %min3A_404, %sub3A_566 : vector<16xi32>
      %select_n3A_568 = arith.select %lt3A_564, %sub3A_567, %min3A_404 : vector<16xi1>, vector<16xi32>
      %add3A_569 = arith.addi %mul3A_84, %select_n3A_568 : vector<16xi32>
      %lt3A_570 = arith.cmpf olt, %get3A_311, %gather3A_458 : vector<16xf32>
      %sub3A_571 = arith.constant 1 : i32
      %sub3A_572 = vector.broadcast %sub3A_571 : i32 to vector<16xi32>
      %sub3A_573 = arith.subi %min3A_411, %sub3A_572 : vector<16xi32>
      %select_n3A_574 = arith.select %lt3A_570, %sub3A_573, %min3A_411 : vector<16xi1>, vector<16xi32>
      %add3A_575 = arith.addi %mul3A_84, %select_n3A_574 : vector<16xi32>
      %lt3A_576 = arith.cmpf olt, %get3A_313, %gather3A_459 : vector<16xf32>
      %sub3A_577 = arith.constant 1 : i32
      %sub3A_578 = vector.broadcast %sub3A_577 : i32 to vector<16xi32>
      %sub3A_579 = arith.subi %min3A_418, %sub3A_578 : vector<16xi32>
      %select_n3A_580 = arith.select %lt3A_576, %sub3A_579, %min3A_418 : vector<16xi1>, vector<16xi32>
      %add3A_581 = arith.addi %mul3A_84, %select_n3A_580 : vector<16xi32>
      %lt3A_582 = arith.cmpf olt, %get3A_315, %gather3A_460 : vector<16xf32>
      %sub3A_583 = arith.constant 1 : i32
      %sub3A_584 = vector.broadcast %sub3A_583 : i32 to vector<16xi32>
      %sub3A_585 = arith.subi %min3A_425, %sub3A_584 : vector<16xi32>
      %select_n3A_586 = arith.select %lt3A_582, %sub3A_585, %min3A_425 : vector<16xi1>, vector<16xi32>
      %add3A_587 = arith.addi %mul3A_84, %select_n3A_586 : vector<16xi32>
      %lt3A_588 = arith.cmpf olt, %get3A_317, %gather3A_461 : vector<16xf32>
      %sub3A_589 = arith.constant 1 : i32
      %sub3A_590 = vector.broadcast %sub3A_589 : i32 to vector<16xi32>
      %sub3A_591 = arith.subi %min3A_432, %sub3A_590 : vector<16xi32>
      %select_n3A_592 = arith.select %lt3A_588, %sub3A_591, %min3A_432 : vector<16xi1>, vector<16xi32>
      %add3A_593 = arith.addi %mul3A_84, %select_n3A_592 : vector<16xi32>
      %lt3A_594 = arith.cmpf olt, %get3A_319, %gather3A_462 : vector<16xf32>
      %sub3A_595 = arith.constant 1 : i32
      %sub3A_596 = vector.broadcast %sub3A_595 : i32 to vector<16xi32>
      %sub3A_597 = arith.subi %min3A_439, %sub3A_596 : vector<16xi32>
      %select_n3A_598 = arith.select %lt3A_594, %sub3A_597, %min3A_439 : vector<16xi1>, vector<16xi32>
      %add3A_599 = arith.addi %mul3A_84, %select_n3A_598 : vector<16xi32>
      %lt3A_600 = arith.cmpf olt, %get3A_321, %gather3A_463 : vector<16xf32>
      %sub3A_601 = arith.constant 1 : i32
      %sub3A_602 = vector.broadcast %sub3A_601 : i32 to vector<16xi32>
      %sub3A_603 = arith.subi %min3A_446, %sub3A_602 : vector<16xi32>
      %select_n3A_604 = arith.select %lt3A_600, %sub3A_603, %min3A_446 : vector<16xi1>, vector<16xi32>
      %add3A_605 = arith.addi %mul3A_84, %select_n3A_604 : vector<16xi32>
      %convert_element_type3A_606 = arith.fptosi %get3A_465 : vector<16xf32> to vector<16xi32>
      %add3A_607 = arith.addi %broadcast_in_dim3A_86, %convert_element_type3A_606 : vector<16xi32>
      tpu.vector_store_idx %arg9[%add3A_503], %add3A_607 {add = true} : memref<256xi32, #tpu.memory_space<vmem>>[vector<16xi32>], vector<16xi32>,
      tpu.vector_store_idx %arg10[%add3A_503], %get3A_287 {add = true} : memref<256xf32, #tpu.memory_space<vmem>>[vector<16xi32>], vector<16xf32>,
      %convert_element_type3A_608 = arith.fptosi %get3A_467 : vector<16xf32> to vector<16xi32>
      %add3A_609 = arith.addi %broadcast_in_dim3A_86, %convert_element_type3A_608 : vector<16xi32>
      tpu.vector_store_idx %arg9[%add3A_509], %add3A_609 {add = true} : memref<256xi32, #tpu.memory_space<vmem>>[vector<16xi32>], vector<16xi32>,
      tpu.vector_store_idx %arg10[%add3A_509], %get3A_289 {add = true} : memref<256xf32, #tpu.memory_space<vmem>>[vector<16xi32>], vector<16xf32>,
      %convert_element_type3A_610 = arith.fptosi %get3A_469 : vector<16xf32> to vector<16xi32>
      %add3A_611 = arith.addi %broadcast_in_dim3A_86, %convert_element_type3A_610 : vector<16xi32>
      tpu.vector_store_idx %arg9[%add3A_515], %add3A_611 {add = true} : memref<256xi32, #tpu.memory_space<vmem>>[vector<16xi32>], vector<16xi32>,
      tpu.vector_store_idx %arg10[%add3A_515], %get3A_291 {add = true} : memref<256xf32, #tpu.memory_space<vmem>>[vector<16xi32>], vector<16xf32>,
      %convert_element_type3A_612 = arith.fptosi %get3A_471 : vector<16xf32> to vector<16xi32>
      %add3A_613 = arith.addi %broadcast_in_dim3A_86, %convert_element_type3A_612 : vector<16xi32>
      tpu.vector_store_idx %arg9[%add3A_521], %add3A_613 {add = true} : memref<256xi32, #tpu.memory_space<vmem>>[vector<16xi32>], vector<16xi32>,
      tpu.vector_store_idx %arg10[%add3A_521], %get3A_293 {add = true} : memref<256xf32, #tpu.memory_space<vmem>>[vector<16xi32>], vector<16xf32>,
      %convert_element_type3A_614 = arith.fptosi %get3A_473 : vector<16xf32> to vector<16xi32>
      %add3A_615 = arith.addi %broadcast_in_dim3A_86, %convert_element_type3A_614 : vector<16xi32>
      tpu.vector_store_idx %arg9[%add3A_527], %add3A_615 {add = true} : memref<256xi32, #tpu.memory_space<vmem>>[vector<16xi32>], vector<16xi32>,
      tpu.vector_store_idx %arg10[%add3A_527], %get3A_295 {add = true} : memref<256xf32, #tpu.memory_space<vmem>>[vector<16xi32>], vector<16xf32>,
      %convert_element_type3A_616 = arith.fptosi %get3A_475 : vector<16xf32> to vector<16xi32>
      %add3A_617 = arith.addi %broadcast_in_dim3A_86, %convert_element_type3A_616 : vector<16xi32>
      tpu.vector_store_idx %arg9[%add3A_533], %add3A_617 {add = true} : memref<256xi32, #tpu.memory_space<vmem>>[vector<16xi32>], vector<16xi32>,
      tpu.vector_store_idx %arg10[%add3A_533], %get3A_297 {add = true} : memref<256xf32, #tpu.memory_space<vmem>>[vector<16xi32>], vector<16xf32>,
      %convert_element_type3A_618 = arith.fptosi %get3A_477 : vector<16xf32> to vector<16xi32>
      %add3A_619 = arith.addi %broadcast_in_dim3A_86, %convert_element_type3A_618 : vector<16xi32>
      tpu.vector_store_idx %arg9[%add3A_539], %add3A_619 {add = true} : memref<256xi32, #tpu.memory_space<vmem>>[vector<16xi32>], vector<16xi32>,
      tpu.vector_store_idx %arg10[%add3A_539], %get3A_299 {add = true} : memref<256xf32, #tpu.memory_space<vmem>>[vector<16xi32>], vector<16xf32>,
      %convert_element_type3A_620 = arith.fptosi %get3A_479 : vector<16xf32> to vector<16xi32>
      %add3A_621 = arith.addi %broadcast_in_dim3A_86, %convert_element_type3A_620 : vector<16xi32>
      tpu.vector_store_idx %arg9[%add3A_545], %add3A_621 {add = true} : memref<256xi32, #tpu.memory_space<vmem>>[vector<16xi32>], vector<16xi32>,
      tpu.vector_store_idx %arg10[%add3A_545], %get3A_301 {add = true} : memref<256xf32, #tpu.memory_space<vmem>>[vector<16xi32>], vector<16xf32>,
      %convert_element_type3A_622 = arith.fptosi %get3A_481 : vector<16xf32> to vector<16xi32>
      %add3A_623 = arith.addi %broadcast_in_dim3A_86, %convert_element_type3A_622 : vector<16xi32>
      tpu.vector_store_idx %arg9[%add3A_551], %add3A_623 {add = true} : memref<256xi32, #tpu.memory_space<vmem>>[vector<16xi32>], vector<16xi32>,
      tpu.vector_store_idx %arg10[%add3A_551], %get3A_303 {add = true} : memref<256xf32, #tpu.memory_space<vmem>>[vector<16xi32>], vector<16xf32>,
      %convert_element_type3A_624 = arith.fptosi %get3A_483 : vector<16xf32> to vector<16xi32>
      %add3A_625 = arith.addi %broadcast_in_dim3A_86, %convert_element_type3A_624 : vector<16xi32>
      tpu.vector_store_idx %arg9[%add3A_557], %add3A_625 {add = true} : memref<256xi32, #tpu.memory_space<vmem>>[vector<16xi32>], vector<16xi32>,
      tpu.vector_store_idx %arg10[%add3A_557], %get3A_305 {add = true} : memref<256xf32, #tpu.memory_space<vmem>>[vector<16xi32>], vector<16xf32>,
      %convert_element_type3A_626 = arith.fptosi %get3A_485 : vector<16xf32> to vector<16xi32>
      %add3A_627 = arith.addi %broadcast_in_dim3A_86, %convert_element_type3A_626 : vector<16xi32>
      tpu.vector_store_idx %arg9[%add3A_563], %add3A_627 {add = true} : memref<256xi32, #tpu.memory_space<vmem>>[vector<16xi32>], vector<16xi32>,
      tpu.vector_store_idx %arg10[%add3A_563], %get3A_307 {add = true} : memref<256xf32, #tpu.memory_space<vmem>>[vector<16xi32>], vector<16xf32>,
      %convert_element_type3A_628 = arith.fptosi %get3A_487 : vector<16xf32> to vector<16xi32>
      %add3A_629 = arith.addi %broadcast_in_dim3A_86, %convert_element_type3A_628 : vector<16xi32>
      tpu.vector_store_idx %arg9[%add3A_569], %add3A_629 {add = true} : memref<256xi32, #tpu.memory_space<vmem>>[vector<16xi32>], vector<16xi32>,
      tpu.vector_store_idx %arg10[%add3A_569], %get3A_309 {add = true} : memref<256xf32, #tpu.memory_space<vmem>>[vector<16xi32>], vector<16xf32>,
      %convert_element_type3A_630 = arith.fptosi %get3A_489 : vector<16xf32> to vector<16xi32>
      %add3A_631 = arith.addi %broadcast_in_dim3A_86, %convert_element_type3A_630 : vector<16xi32>
      tpu.vector_store_idx %arg9[%add3A_575], %add3A_631 {add = true} : memref<256xi32, #tpu.memory_space<vmem>>[vector<16xi32>], vector<16xi32>,
      tpu.vector_store_idx %arg10[%add3A_575], %get3A_311 {add = true} : memref<256xf32, #tpu.memory_space<vmem>>[vector<16xi32>], vector<16xf32>,
      %convert_element_type3A_632 = arith.fptosi %get3A_491 : vector<16xf32> to vector<16xi32>
      %add3A_633 = arith.addi %broadcast_in_dim3A_86, %convert_element_type3A_632 : vector<16xi32>
      tpu.vector_store_idx %arg9[%add3A_581], %add3A_633 {add = true} : memref<256xi32, #tpu.memory_space<vmem>>[vector<16xi32>], vector<16xi32>,
      tpu.vector_store_idx %arg10[%add3A_581], %get3A_313 {add = true} : memref<256xf32, #tpu.memory_space<vmem>>[vector<16xi32>], vector<16xf32>,
      %convert_element_type3A_634 = arith.fptosi %get3A_493 : vector<16xf32> to vector<16xi32>
      %add3A_635 = arith.addi %broadcast_in_dim3A_86, %convert_element_type3A_634 : vector<16xi32>
      tpu.vector_store_idx %arg9[%add3A_587], %add3A_635 {add = true} : memref<256xi32, #tpu.memory_space<vmem>>[vector<16xi32>], vector<16xi32>,
      tpu.vector_store_idx %arg10[%add3A_587], %get3A_315 {add = true} : memref<256xf32, #tpu.memory_space<vmem>>[vector<16xi32>], vector<16xf32>,
      %convert_element_type3A_636 = arith.fptosi %get3A_495 : vector<16xf32> to vector<16xi32>
      %add3A_637 = arith.addi %broadcast_in_dim3A_86, %convert_element_type3A_636 : vector<16xi32>
      tpu.vector_store_idx %arg9[%add3A_593], %add3A_637 {add = true} : memref<256xi32, #tpu.memory_space<vmem>>[vector<16xi32>], vector<16xi32>,
      tpu.vector_store_idx %arg10[%add3A_593], %get3A_317 {add = true} : memref<256xf32, #tpu.memory_space<vmem>>[vector<16xi32>], vector<16xf32>,
      %convert_element_type3A_638 = arith.fptosi %get3A_497 : vector<16xf32> to vector<16xi32>
      %add3A_639 = arith.addi %broadcast_in_dim3A_86, %convert_element_type3A_638 : vector<16xi32>
      tpu.vector_store_idx %arg9[%add3A_599], %add3A_639 {add = true} : memref<256xi32, #tpu.memory_space<vmem>>[vector<16xi32>], vector<16xi32>,
      tpu.vector_store_idx %arg10[%add3A_599], %get3A_319 {add = true} : memref<256xf32, #tpu.memory_space<vmem>>[vector<16xi32>], vector<16xf32>,
      %convert_element_type3A_640 = arith.fptosi %get3A_499 : vector<16xf32> to vector<16xi32>
      %add3A_641 = arith.addi %broadcast_in_dim3A_86, %convert_element_type3A_640 : vector<16xi32>
      tpu.vector_store_idx %arg9[%add3A_605], %add3A_641 {add = true} : memref<256xi32, #tpu.memory_space<vmem>>[vector<16xi32>], vector<16xi32>,
      tpu.vector_store_idx %arg10[%add3A_605], %get3A_321 {add = true} : memref<256xf32, #tpu.memory_space<vmem>>[vector<16xi32>], vector<16xf32>,
    }
    %scan3A_102 = arith.constant 107 : i32
    %convert_element_type3A_103 = arith.extui %lt3A_3 : i1 to i32
    %cond3A_104 = arith.constant 0 : i32
    %cond3A_105 = arith.cmpi ne, %convert_element_type3A_103, %cond3A_104 : i32
    scf.if %cond3A_105 {
      %add3A_211 = arith.constant 30816 : i32
      %add3A_212 = arith.addi %mul3A_2, %add3A_211 : i32
      %dma_wait3A_213 = arith.constant 30816 : i32
      %dma_wait3A_214 = tpu.memref_slice %arg6[%dma_wait3A_213] : memref<31264xf32, #tpu.memory_space<vmem>> -> memref<448xf32, #tpu.memory_space<vmem>>
      %dma_wait3A_215 = tpu.memref_slice %arg2[%add3A_212] : memref<1000000xf32, #tpu.memory_space<hbm>> -> memref<448xf32, #tpu.memory_space<hbm>>
      %dma_wait3A_216 = arith.constant 30816 : i32
      %dma_wait3A_217 = tpu.memref_slice %arg6[%dma_wait3A_216] : memref<31264xf32, #tpu.memory_space<vmem>> -> memref<448xf32, #tpu.memory_space<vmem>>
      %dma_wait3A_218 = tpu.memref_slice %arg2[%add3A_212] : memref<1000000xf32, #tpu.memory_space<hbm>> -> memref<448xf32, #tpu.memory_space<hbm>>
      tpu.wait_dma2 semaphore(%arg16 : memref<!tpu.dma_semaphore, #tpu.memory_space<semaphore_mem>>) src(%dma_wait3A_218 : memref<448xf32, #tpu.memory_space<hbm>>) dst(%dma_wait3A_217 : memref<448xf32, #tpu.memory_space<vmem>>)
      %add3A_219 = arith.constant 30816 : i32
      %add3A_220 = arith.addi %mul3A_2, %add3A_219 : i32
      %dma_wait3A_221 = arith.constant 30816 : i32
      %dma_wait3A_222 = tpu.memref_slice %arg7[%dma_wait3A_221] : memref<31264xf32, #tpu.memory_space<vmem>> -> memref<448xf32, #tpu.memory_space<vmem>>
      %dma_wait3A_223 = tpu.memref_slice %arg3[%add3A_220] : memref<1000000xf32, #tpu.memory_space<hbm>> -> memref<448xf32, #tpu.memory_space<hbm>>
      %dma_wait3A_224 = arith.constant 30816 : i32
      %dma_wait3A_225 = tpu.memref_slice %arg7[%dma_wait3A_224] : memref<31264xf32, #tpu.memory_space<vmem>> -> memref<448xf32, #tpu.memory_space<vmem>>
      %dma_wait3A_226 = tpu.memref_slice %arg3[%add3A_220] : memref<1000000xf32, #tpu.memory_space<hbm>> -> memref<448xf32, #tpu.memory_space<hbm>>
      tpu.wait_dma2 semaphore(%arg17 : memref<!tpu.dma_semaphore, #tpu.memory_space<semaphore_mem>>) src(%dma_wait3A_226 : memref<448xf32, #tpu.memory_space<hbm>>) dst(%dma_wait3A_225 : memref<448xf32, #tpu.memory_space<vmem>>)
      %get3A_227 = arith.constant 30816 : index
      %get3A_228 = tpu.vector_load %arg6[%get3A_227] {strides = array<i32>} : memref<31264xf32, #tpu.memory_space<vmem>>, vector<16xf32>,
      %get3A_229 = arith.constant 30832 : index
      %get3A_230 = tpu.vector_load %arg6[%get3A_229] {strides = array<i32>} : memref<31264xf32, #tpu.memory_space<vmem>>, vector<16xf32>,
      %get3A_231 = arith.constant 30848 : index
      %get3A_232 = tpu.vector_load %arg6[%get3A_231] {strides = array<i32>} : memref<31264xf32, #tpu.memory_space<vmem>>, vector<16xf32>,
      %get3A_233 = arith.constant 30864 : index
      %get3A_234 = tpu.vector_load %arg6[%get3A_233] {strides = array<i32>} : memref<31264xf32, #tpu.memory_space<vmem>>, vector<16xf32>,
      %get3A_235 = arith.constant 30880 : index
      %get3A_236 = tpu.vector_load %arg6[%get3A_235] {strides = array<i32>} : memref<31264xf32, #tpu.memory_space<vmem>>, vector<16xf32>,
      %get3A_237 = arith.constant 30896 : index
      %get3A_238 = tpu.vector_load %arg6[%get3A_237] {strides = array<i32>} : memref<31264xf32, #tpu.memory_space<vmem>>, vector<16xf32>,
      %get3A_239 = arith.constant 30912 : index
      %get3A_240 = tpu.vector_load %arg6[%get3A_239] {strides = array<i32>} : memref<31264xf32, #tpu.memory_space<vmem>>, vector<16xf32>,
      %mul3A_241 = arith.constant 1.500000e+01 : f32
      %mul3A_242 = vector.broadcast %mul3A_241 : f32 to vector<16xf32>
      %mul3A_243 = arith.mulf %get3A_228, %mul3A_242 : vector<16xf32>
      %convert_element_type3A_244 = arith.fptosi %mul3A_243 : vector<16xf32> to vector<16xi32>
      %min3A = arith.constant 14 : i32
      %min3A_245 = vector.broadcast %min3A : i32 to vector<16xi32>
      %min3A_246 = arith.minsi %convert_element_type3A_244, %min3A_245 : vector<16xi32>
      %mul3A_247 = arith.constant 1.500000e+01 : f32
      %mul3A_248 = vector.broadcast %mul3A_247 : f32 to vector<16xf32>
      %mul3A_249 = arith.mulf %get3A_230, %mul3A_248 : vector<16xf32>
      %convert_element_type3A_250 = arith.fptosi %mul3A_249 : vector<16xf32> to vector<16xi32>
      %min3A_251 = arith.constant 14 : i32
      %min3A_252 = vector.broadcast %min3A_251 : i32 to vector<16xi32>
      %min3A_253 = arith.minsi %convert_element_type3A_250, %min3A_252 : vector<16xi32>
      %mul3A_254 = arith.constant 1.500000e+01 : f32
      %mul3A_255 = vector.broadcast %mul3A_254 : f32 to vector<16xf32>
      %mul3A_256 = arith.mulf %get3A_232, %mul3A_255 : vector<16xf32>
      %convert_element_type3A_257 = arith.fptosi %mul3A_256 : vector<16xf32> to vector<16xi32>
      %min3A_258 = arith.constant 14 : i32
      %min3A_259 = vector.broadcast %min3A_258 : i32 to vector<16xi32>
      %min3A_260 = arith.minsi %convert_element_type3A_257, %min3A_259 : vector<16xi32>
      %mul3A_261 = arith.constant 1.500000e+01 : f32
      %mul3A_262 = vector.broadcast %mul3A_261 : f32 to vector<16xf32>
      %mul3A_263 = arith.mulf %get3A_234, %mul3A_262 : vector<16xf32>
      %convert_element_type3A_264 = arith.fptosi %mul3A_263 : vector<16xf32> to vector<16xi32>
      %min3A_265 = arith.constant 14 : i32
      %min3A_266 = vector.broadcast %min3A_265 : i32 to vector<16xi32>
      %min3A_267 = arith.minsi %convert_element_type3A_264, %min3A_266 : vector<16xi32>
      %mul3A_268 = arith.constant 1.500000e+01 : f32
      %mul3A_269 = vector.broadcast %mul3A_268 : f32 to vector<16xf32>
      %mul3A_270 = arith.mulf %get3A_236, %mul3A_269 : vector<16xf32>
      %convert_element_type3A_271 = arith.fptosi %mul3A_270 : vector<16xf32> to vector<16xi32>
      %min3A_272 = arith.constant 14 : i32
      %min3A_273 = vector.broadcast %min3A_272 : i32 to vector<16xi32>
      %min3A_274 = arith.minsi %convert_element_type3A_271, %min3A_273 : vector<16xi32>
      %mul3A_275 = arith.constant 1.500000e+01 : f32
      %mul3A_276 = vector.broadcast %mul3A_275 : f32 to vector<16xf32>
      %mul3A_277 = arith.mulf %get3A_238, %mul3A_276 : vector<16xf32>
      %convert_element_type3A_278 = arith.fptosi %mul3A_277 : vector<16xf32> to vector<16xi32>
      %min3A_279 = arith.constant 14 : i32
      %min3A_280 = vector.broadcast %min3A_279 : i32 to vector<16xi32>
      %min3A_281 = arith.minsi %convert_element_type3A_278, %min3A_280 : vector<16xi32>
      %mul3A_282 = arith.constant 1.500000e+01 : f32
      %mul3A_283 = vector.broadcast %mul3A_282 : f32 to vector<16xf32>
      %mul3A_284 = arith.mulf %get3A_240, %mul3A_283 : vector<16xf32>
      %convert_element_type3A_285 = arith.fptosi %mul3A_284 : vector<16xf32> to vector<16xi32>
      %min3A_286 = arith.constant 14 : i32
      %min3A_287 = vector.broadcast %min3A_286 : i32 to vector<16xi32>
      %min3A_288 = arith.minsi %convert_element_type3A_285, %min3A_287 : vector<16xi32>
      %gather3A = tpu.vector_load_idx %arg8[%min3A_246] : memref<16xf32, #tpu.memory_space<vmem>>[vector<16xi32>], vector<16xf32>,
      %gather3A_289 = tpu.vector_load_idx %arg8[%min3A_253] : memref<16xf32, #tpu.memory_space<vmem>>[vector<16xi32>], vector<16xf32>,
      %gather3A_290 = tpu.vector_load_idx %arg8[%min3A_260] : memref<16xf32, #tpu.memory_space<vmem>>[vector<16xi32>], vector<16xf32>,
      %gather3A_291 = tpu.vector_load_idx %arg8[%min3A_267] : memref<16xf32, #tpu.memory_space<vmem>>[vector<16xi32>], vector<16xf32>,
      %gather3A_292 = tpu.vector_load_idx %arg8[%min3A_274] : memref<16xf32, #tpu.memory_space<vmem>>[vector<16xi32>], vector<16xf32>,
      %gather3A_293 = tpu.vector_load_idx %arg8[%min3A_281] : memref<16xf32, #tpu.memory_space<vmem>>[vector<16xi32>], vector<16xf32>,
      %gather3A_294 = tpu.vector_load_idx %arg8[%min3A_288] : memref<16xf32, #tpu.memory_space<vmem>>[vector<16xi32>], vector<16xf32>,
      %get3A_295 = arith.constant 30816 : index
      %get3A_296 = tpu.vector_load %arg7[%get3A_295] {strides = array<i32>} : memref<31264xf32, #tpu.memory_space<vmem>>, vector<16xf32>,
      %get3A_297 = arith.constant 30832 : index
      %get3A_298 = tpu.vector_load %arg7[%get3A_297] {strides = array<i32>} : memref<31264xf32, #tpu.memory_space<vmem>>, vector<16xf32>,
      %get3A_299 = arith.constant 30848 : index
      %get3A_300 = tpu.vector_load %arg7[%get3A_299] {strides = array<i32>} : memref<31264xf32, #tpu.memory_space<vmem>>, vector<16xf32>,
      %get3A_301 = arith.constant 30864 : index
      %get3A_302 = tpu.vector_load %arg7[%get3A_301] {strides = array<i32>} : memref<31264xf32, #tpu.memory_space<vmem>>, vector<16xf32>,
      %get3A_303 = arith.constant 30880 : index
      %get3A_304 = tpu.vector_load %arg7[%get3A_303] {strides = array<i32>} : memref<31264xf32, #tpu.memory_space<vmem>>, vector<16xf32>,
      %get3A_305 = arith.constant 30896 : index
      %get3A_306 = tpu.vector_load %arg7[%get3A_305] {strides = array<i32>} : memref<31264xf32, #tpu.memory_space<vmem>>, vector<16xf32>,
      %get3A_307 = arith.constant 30912 : index
      %get3A_308 = tpu.vector_load %arg7[%get3A_307] {strides = array<i32>} : memref<31264xf32, #tpu.memory_space<vmem>>, vector<16xf32>,
      %lt3A_309 = arith.cmpf olt, %get3A_228, %gather3A : vector<16xf32>
      %sub3A = arith.constant 1 : i32
      %sub3A_310 = vector.broadcast %sub3A : i32 to vector<16xi32>
      %sub3A_311 = arith.subi %min3A_246, %sub3A_310 : vector<16xi32>
      %select_n3A = arith.select %lt3A_309, %sub3A_311, %min3A_246 : vector<16xi1>, vector<16xi32>
      %add3A_312 = arith.addi %mul3A_84, %select_n3A : vector<16xi32>
      %lt3A_313 = arith.cmpf olt, %get3A_230, %gather3A_289 : vector<16xf32>
      %sub3A_314 = arith.constant 1 : i32
      %sub3A_315 = vector.broadcast %sub3A_314 : i32 to vector<16xi32>
      %sub3A_316 = arith.subi %min3A_253, %sub3A_315 : vector<16xi32>
      %select_n3A_317 = arith.select %lt3A_313, %sub3A_316, %min3A_253 : vector<16xi1>, vector<16xi32>
      %add3A_318 = arith.addi %mul3A_84, %select_n3A_317 : vector<16xi32>
      %lt3A_319 = arith.cmpf olt, %get3A_232, %gather3A_290 : vector<16xf32>
      %sub3A_320 = arith.constant 1 : i32
      %sub3A_321 = vector.broadcast %sub3A_320 : i32 to vector<16xi32>
      %sub3A_322 = arith.subi %min3A_260, %sub3A_321 : vector<16xi32>
      %select_n3A_323 = arith.select %lt3A_319, %sub3A_322, %min3A_260 : vector<16xi1>, vector<16xi32>
      %add3A_324 = arith.addi %mul3A_84, %select_n3A_323 : vector<16xi32>
      %lt3A_325 = arith.cmpf olt, %get3A_234, %gather3A_291 : vector<16xf32>
      %sub3A_326 = arith.constant 1 : i32
      %sub3A_327 = vector.broadcast %sub3A_326 : i32 to vector<16xi32>
      %sub3A_328 = arith.subi %min3A_267, %sub3A_327 : vector<16xi32>
      %select_n3A_329 = arith.select %lt3A_325, %sub3A_328, %min3A_267 : vector<16xi1>, vector<16xi32>
      %add3A_330 = arith.addi %mul3A_84, %select_n3A_329 : vector<16xi32>
      %lt3A_331 = arith.cmpf olt, %get3A_236, %gather3A_292 : vector<16xf32>
      %sub3A_332 = arith.constant 1 : i32
      %sub3A_333 = vector.broadcast %sub3A_332 : i32 to vector<16xi32>
      %sub3A_334 = arith.subi %min3A_274, %sub3A_333 : vector<16xi32>
      %select_n3A_335 = arith.select %lt3A_331, %sub3A_334, %min3A_274 : vector<16xi1>, vector<16xi32>
      %add3A_336 = arith.addi %mul3A_84, %select_n3A_335 : vector<16xi32>
      %lt3A_337 = arith.cmpf olt, %get3A_238, %gather3A_293 : vector<16xf32>
      %sub3A_338 = arith.constant 1 : i32
      %sub3A_339 = vector.broadcast %sub3A_338 : i32 to vector<16xi32>
      %sub3A_340 = arith.subi %min3A_281, %sub3A_339 : vector<16xi32>
      %select_n3A_341 = arith.select %lt3A_337, %sub3A_340, %min3A_281 : vector<16xi1>, vector<16xi32>
      %add3A_342 = arith.addi %mul3A_84, %select_n3A_341 : vector<16xi32>
      %lt3A_343 = arith.cmpf olt, %get3A_240, %gather3A_294 : vector<16xf32>
      %sub3A_344 = arith.constant 1 : i32
      %sub3A_345 = vector.broadcast %sub3A_344 : i32 to vector<16xi32>
      %sub3A_346 = arith.subi %min3A_288, %sub3A_345 : vector<16xi32>
      %select_n3A_347 = arith.select %lt3A_343, %sub3A_346, %min3A_288 : vector<16xi1>, vector<16xi32>
      %add3A_348 = arith.addi %mul3A_84, %select_n3A_347 : vector<16xi32>
      %convert_element_type3A_349 = arith.fptosi %get3A_296 : vector<16xf32> to vector<16xi32>
      %add3A_350 = arith.addi %broadcast_in_dim3A_86, %convert_element_type3A_349 : vector<16xi32>
      tpu.vector_store_idx %arg9[%add3A_312], %add3A_350 {add = true} : memref<256xi32, #tpu.memory_space<vmem>>[vector<16xi32>], vector<16xi32>,
      tpu.vector_store_idx %arg10[%add3A_312], %get3A_228 {add = true} : memref<256xf32, #tpu.memory_space<vmem>>[vector<16xi32>], vector<16xf32>,
      %convert_element_type3A_351 = arith.fptosi %get3A_298 : vector<16xf32> to vector<16xi32>
      %add3A_352 = arith.addi %broadcast_in_dim3A_86, %convert_element_type3A_351 : vector<16xi32>
      tpu.vector_store_idx %arg9[%add3A_318], %add3A_352 {add = true} : memref<256xi32, #tpu.memory_space<vmem>>[vector<16xi32>], vector<16xi32>,
      tpu.vector_store_idx %arg10[%add3A_318], %get3A_230 {add = true} : memref<256xf32, #tpu.memory_space<vmem>>[vector<16xi32>], vector<16xf32>,
      %convert_element_type3A_353 = arith.fptosi %get3A_300 : vector<16xf32> to vector<16xi32>
      %add3A_354 = arith.addi %broadcast_in_dim3A_86, %convert_element_type3A_353 : vector<16xi32>
      tpu.vector_store_idx %arg9[%add3A_324], %add3A_354 {add = true} : memref<256xi32, #tpu.memory_space<vmem>>[vector<16xi32>], vector<16xi32>,
      tpu.vector_store_idx %arg10[%add3A_324], %get3A_232 {add = true} : memref<256xf32, #tpu.memory_space<vmem>>[vector<16xi32>], vector<16xf32>,
      %convert_element_type3A_355 = arith.fptosi %get3A_302 : vector<16xf32> to vector<16xi32>
      %add3A_356 = arith.addi %broadcast_in_dim3A_86, %convert_element_type3A_355 : vector<16xi32>
      tpu.vector_store_idx %arg9[%add3A_330], %add3A_356 {add = true} : memref<256xi32, #tpu.memory_space<vmem>>[vector<16xi32>], vector<16xi32>,
      tpu.vector_store_idx %arg10[%add3A_330], %get3A_234 {add = true} : memref<256xf32, #tpu.memory_space<vmem>>[vector<16xi32>], vector<16xf32>,
      %convert_element_type3A_357 = arith.fptosi %get3A_304 : vector<16xf32> to vector<16xi32>
      %add3A_358 = arith.addi %broadcast_in_dim3A_86, %convert_element_type3A_357 : vector<16xi32>
      tpu.vector_store_idx %arg9[%add3A_336], %add3A_358 {add = true} : memref<256xi32, #tpu.memory_space<vmem>>[vector<16xi32>], vector<16xi32>,
      tpu.vector_store_idx %arg10[%add3A_336], %get3A_236 {add = true} : memref<256xf32, #tpu.memory_space<vmem>>[vector<16xi32>], vector<16xf32>,
      %convert_element_type3A_359 = arith.fptosi %get3A_306 : vector<16xf32> to vector<16xi32>
      %add3A_360 = arith.addi %broadcast_in_dim3A_86, %convert_element_type3A_359 : vector<16xi32>
      tpu.vector_store_idx %arg9[%add3A_342], %add3A_360 {add = true} : memref<256xi32, #tpu.memory_space<vmem>>[vector<16xi32>], vector<16xi32>,
      tpu.vector_store_idx %arg10[%add3A_342], %get3A_238 {add = true} : memref<256xf32, #tpu.memory_space<vmem>>[vector<16xi32>], vector<16xf32>,
      %convert_element_type3A_361 = arith.fptosi %get3A_308 : vector<16xf32> to vector<16xi32>
      %add3A_362 = arith.addi %broadcast_in_dim3A_86, %convert_element_type3A_361 : vector<16xi32>
      tpu.vector_store_idx %arg9[%add3A_348], %add3A_362 {add = true} : memref<256xi32, #tpu.memory_space<vmem>>[vector<16xi32>], vector<16xi32>,
      tpu.vector_store_idx %arg10[%add3A_348], %get3A_240 {add = true} : memref<256xf32, #tpu.memory_space<vmem>>[vector<16xi32>], vector<16xf32>,
      %get3A_363 = arith.constant 30928 : index
      %get3A_364 = tpu.vector_load %arg6[%get3A_363] {strides = array<i32>} : memref<31264xf32, #tpu.memory_space<vmem>>, vector<16xf32>,
      %get3A_365 = arith.constant 30944 : index
      %get3A_366 = tpu.vector_load %arg6[%get3A_365] {strides = array<i32>} : memref<31264xf32, #tpu.memory_space<vmem>>, vector<16xf32>,
      %get3A_367 = arith.constant 30960 : index
      %get3A_368 = tpu.vector_load %arg6[%get3A_367] {strides = array<i32>} : memref<31264xf32, #tpu.memory_space<vmem>>, vector<16xf32>,
      %get3A_369 = arith.constant 30976 : index
      %get3A_370 = tpu.vector_load %arg6[%get3A_369] {strides = array<i32>} : memref<31264xf32, #tpu.memory_space<vmem>>, vector<16xf32>,
      %get3A_371 = arith.constant 30992 : index
      %get3A_372 = tpu.vector_load %arg6[%get3A_371] {strides = array<i32>} : memref<31264xf32, #tpu.memory_space<vmem>>, vector<16xf32>,
      %get3A_373 = arith.constant 31008 : index
      %get3A_374 = tpu.vector_load %arg6[%get3A_373] {strides = array<i32>} : memref<31264xf32, #tpu.memory_space<vmem>>, vector<16xf32>,
      %get3A_375 = arith.constant 31024 : index
      %get3A_376 = tpu.vector_load %arg6[%get3A_375] {strides = array<i32>} : memref<31264xf32, #tpu.memory_space<vmem>>, vector<16xf32>,
      %mul3A_377 = arith.constant 1.500000e+01 : f32
      %mul3A_378 = vector.broadcast %mul3A_377 : f32 to vector<16xf32>
      %mul3A_379 = arith.mulf %get3A_364, %mul3A_378 : vector<16xf32>
      %convert_element_type3A_380 = arith.fptosi %mul3A_379 : vector<16xf32> to vector<16xi32>
      %min3A_381 = arith.constant 14 : i32
      %min3A_382 = vector.broadcast %min3A_381 : i32 to vector<16xi32>
      %min3A_383 = arith.minsi %convert_element_type3A_380, %min3A_382 : vector<16xi32>
      %mul3A_384 = arith.constant 1.500000e+01 : f32
      %mul3A_385 = vector.broadcast %mul3A_384 : f32 to vector<16xf32>
      %mul3A_386 = arith.mulf %get3A_366, %mul3A_385 : vector<16xf32>
      %convert_element_type3A_387 = arith.fptosi %mul3A_386 : vector<16xf32> to vector<16xi32>
      %min3A_388 = arith.constant 14 : i32
      %min3A_389 = vector.broadcast %min3A_388 : i32 to vector<16xi32>
      %min3A_390 = arith.minsi %convert_element_type3A_387, %min3A_389 : vector<16xi32>
      %mul3A_391 = arith.constant 1.500000e+01 : f32
      %mul3A_392 = vector.broadcast %mul3A_391 : f32 to vector<16xf32>
      %mul3A_393 = arith.mulf %get3A_368, %mul3A_392 : vector<16xf32>
      %convert_element_type3A_394 = arith.fptosi %mul3A_393 : vector<16xf32> to vector<16xi32>
      %min3A_395 = arith.constant 14 : i32
      %min3A_396 = vector.broadcast %min3A_395 : i32 to vector<16xi32>
      %min3A_397 = arith.minsi %convert_element_type3A_394, %min3A_396 : vector<16xi32>
      %mul3A_398 = arith.constant 1.500000e+01 : f32
      %mul3A_399 = vector.broadcast %mul3A_398 : f32 to vector<16xf32>
      %mul3A_400 = arith.mulf %get3A_370, %mul3A_399 : vector<16xf32>
      %convert_element_type3A_401 = arith.fptosi %mul3A_400 : vector<16xf32> to vector<16xi32>
      %min3A_402 = arith.constant 14 : i32
      %min3A_403 = vector.broadcast %min3A_402 : i32 to vector<16xi32>
      %min3A_404 = arith.minsi %convert_element_type3A_401, %min3A_403 : vector<16xi32>
      %mul3A_405 = arith.constant 1.500000e+01 : f32
      %mul3A_406 = vector.broadcast %mul3A_405 : f32 to vector<16xf32>
      %mul3A_407 = arith.mulf %get3A_372, %mul3A_406 : vector<16xf32>
      %convert_element_type3A_408 = arith.fptosi %mul3A_407 : vector<16xf32> to vector<16xi32>
      %min3A_409 = arith.constant 14 : i32
      %min3A_410 = vector.broadcast %min3A_409 : i32 to vector<16xi32>
      %min3A_411 = arith.minsi %convert_element_type3A_408, %min3A_410 : vector<16xi32>
      %mul3A_412 = arith.constant 1.500000e+01 : f32
      %mul3A_413 = vector.broadcast %mul3A_412 : f32 to vector<16xf32>
      %mul3A_414 = arith.mulf %get3A_374, %mul3A_413 : vector<16xf32>
      %convert_element_type3A_415 = arith.fptosi %mul3A_414 : vector<16xf32> to vector<16xi32>
      %min3A_416 = arith.constant 14 : i32
      %min3A_417 = vector.broadcast %min3A_416 : i32 to vector<16xi32>
      %min3A_418 = arith.minsi %convert_element_type3A_415, %min3A_417 : vector<16xi32>
      %mul3A_419 = arith.constant 1.500000e+01 : f32
      %mul3A_420 = vector.broadcast %mul3A_419 : f32 to vector<16xf32>
      %mul3A_421 = arith.mulf %get3A_376, %mul3A_420 : vector<16xf32>
      %convert_element_type3A_422 = arith.fptosi %mul3A_421 : vector<16xf32> to vector<16xi32>
      %min3A_423 = arith.constant 14 : i32
      %min3A_424 = vector.broadcast %min3A_423 : i32 to vector<16xi32>
      %min3A_425 = arith.minsi %convert_element_type3A_422, %min3A_424 : vector<16xi32>
      %gather3A_426 = tpu.vector_load_idx %arg8[%min3A_383] : memref<16xf32, #tpu.memory_space<vmem>>[vector<16xi32>], vector<16xf32>,
      %gather3A_427 = tpu.vector_load_idx %arg8[%min3A_390] : memref<16xf32, #tpu.memory_space<vmem>>[vector<16xi32>], vector<16xf32>,
      %gather3A_428 = tpu.vector_load_idx %arg8[%min3A_397] : memref<16xf32, #tpu.memory_space<vmem>>[vector<16xi32>], vector<16xf32>,
      %gather3A_429 = tpu.vector_load_idx %arg8[%min3A_404] : memref<16xf32, #tpu.memory_space<vmem>>[vector<16xi32>], vector<16xf32>,
      %gather3A_430 = tpu.vector_load_idx %arg8[%min3A_411] : memref<16xf32, #tpu.memory_space<vmem>>[vector<16xi32>], vector<16xf32>,
      %gather3A_431 = tpu.vector_load_idx %arg8[%min3A_418] : memref<16xf32, #tpu.memory_space<vmem>>[vector<16xi32>], vector<16xf32>,
      %gather3A_432 = tpu.vector_load_idx %arg8[%min3A_425] : memref<16xf32, #tpu.memory_space<vmem>>[vector<16xi32>], vector<16xf32>,
      %get3A_433 = arith.constant 30928 : index
      %get3A_434 = tpu.vector_load %arg7[%get3A_433] {strides = array<i32>} : memref<31264xf32, #tpu.memory_space<vmem>>, vector<16xf32>,
      %get3A_435 = arith.constant 30944 : index
      %get3A_436 = tpu.vector_load %arg7[%get3A_435] {strides = array<i32>} : memref<31264xf32, #tpu.memory_space<vmem>>, vector<16xf32>,
      %get3A_437 = arith.constant 30960 : index
      %get3A_438 = tpu.vector_load %arg7[%get3A_437] {strides = array<i32>} : memref<31264xf32, #tpu.memory_space<vmem>>, vector<16xf32>,
      %get3A_439 = arith.constant 30976 : index
      %get3A_440 = tpu.vector_load %arg7[%get3A_439] {strides = array<i32>} : memref<31264xf32, #tpu.memory_space<vmem>>, vector<16xf32>,
      %get3A_441 = arith.constant 30992 : index
      %get3A_442 = tpu.vector_load %arg7[%get3A_441] {strides = array<i32>} : memref<31264xf32, #tpu.memory_space<vmem>>, vector<16xf32>,
      %get3A_443 = arith.constant 31008 : index
      %get3A_444 = tpu.vector_load %arg7[%get3A_443] {strides = array<i32>} : memref<31264xf32, #tpu.memory_space<vmem>>, vector<16xf32>,
      %get3A_445 = arith.constant 31024 : index
      %get3A_446 = tpu.vector_load %arg7[%get3A_445] {strides = array<i32>} : memref<31264xf32, #tpu.memory_space<vmem>>, vector<16xf32>,
      %lt3A_447 = arith.cmpf olt, %get3A_364, %gather3A_426 : vector<16xf32>
      %sub3A_448 = arith.constant 1 : i32
      %sub3A_449 = vector.broadcast %sub3A_448 : i32 to vector<16xi32>
      %sub3A_450 = arith.subi %min3A_383, %sub3A_449 : vector<16xi32>
      %select_n3A_451 = arith.select %lt3A_447, %sub3A_450, %min3A_383 : vector<16xi1>, vector<16xi32>
      %add3A_452 = arith.addi %mul3A_84, %select_n3A_451 : vector<16xi32>
      %lt3A_453 = arith.cmpf olt, %get3A_366, %gather3A_427 : vector<16xf32>
      %sub3A_454 = arith.constant 1 : i32
      %sub3A_455 = vector.broadcast %sub3A_454 : i32 to vector<16xi32>
      %sub3A_456 = arith.subi %min3A_390, %sub3A_455 : vector<16xi32>
      %select_n3A_457 = arith.select %lt3A_453, %sub3A_456, %min3A_390 : vector<16xi1>, vector<16xi32>
      %add3A_458 = arith.addi %mul3A_84, %select_n3A_457 : vector<16xi32>
      %lt3A_459 = arith.cmpf olt, %get3A_368, %gather3A_428 : vector<16xf32>
      %sub3A_460 = arith.constant 1 : i32
      %sub3A_461 = vector.broadcast %sub3A_460 : i32 to vector<16xi32>
      %sub3A_462 = arith.subi %min3A_397, %sub3A_461 : vector<16xi32>
      %select_n3A_463 = arith.select %lt3A_459, %sub3A_462, %min3A_397 : vector<16xi1>, vector<16xi32>
      %add3A_464 = arith.addi %mul3A_84, %select_n3A_463 : vector<16xi32>
      %lt3A_465 = arith.cmpf olt, %get3A_370, %gather3A_429 : vector<16xf32>
      %sub3A_466 = arith.constant 1 : i32
      %sub3A_467 = vector.broadcast %sub3A_466 : i32 to vector<16xi32>
      %sub3A_468 = arith.subi %min3A_404, %sub3A_467 : vector<16xi32>
      %select_n3A_469 = arith.select %lt3A_465, %sub3A_468, %min3A_404 : vector<16xi1>, vector<16xi32>
      %add3A_470 = arith.addi %mul3A_84, %select_n3A_469 : vector<16xi32>
      %lt3A_471 = arith.cmpf olt, %get3A_372, %gather3A_430 : vector<16xf32>
      %sub3A_472 = arith.constant 1 : i32
      %sub3A_473 = vector.broadcast %sub3A_472 : i32 to vector<16xi32>
      %sub3A_474 = arith.subi %min3A_411, %sub3A_473 : vector<16xi32>
      %select_n3A_475 = arith.select %lt3A_471, %sub3A_474, %min3A_411 : vector<16xi1>, vector<16xi32>
      %add3A_476 = arith.addi %mul3A_84, %select_n3A_475 : vector<16xi32>
      %lt3A_477 = arith.cmpf olt, %get3A_374, %gather3A_431 : vector<16xf32>
      %sub3A_478 = arith.constant 1 : i32
      %sub3A_479 = vector.broadcast %sub3A_478 : i32 to vector<16xi32>
      %sub3A_480 = arith.subi %min3A_418, %sub3A_479 : vector<16xi32>
      %select_n3A_481 = arith.select %lt3A_477, %sub3A_480, %min3A_418 : vector<16xi1>, vector<16xi32>
      %add3A_482 = arith.addi %mul3A_84, %select_n3A_481 : vector<16xi32>
      %lt3A_483 = arith.cmpf olt, %get3A_376, %gather3A_432 : vector<16xf32>
      %sub3A_484 = arith.constant 1 : i32
      %sub3A_485 = vector.broadcast %sub3A_484 : i32 to vector<16xi32>
      %sub3A_486 = arith.subi %min3A_425, %sub3A_485 : vector<16xi32>
      %select_n3A_487 = arith.select %lt3A_483, %sub3A_486, %min3A_425 : vector<16xi1>, vector<16xi32>
      %add3A_488 = arith.addi %mul3A_84, %select_n3A_487 : vector<16xi32>
      %convert_element_type3A_489 = arith.fptosi %get3A_434 : vector<16xf32> to vector<16xi32>
      %add3A_490 = arith.addi %broadcast_in_dim3A_86, %convert_element_type3A_489 : vector<16xi32>
      tpu.vector_store_idx %arg9[%add3A_452], %add3A_490 {add = true} : memref<256xi32, #tpu.memory_space<vmem>>[vector<16xi32>], vector<16xi32>,
      tpu.vector_store_idx %arg10[%add3A_452], %get3A_364 {add = true} : memref<256xf32, #tpu.memory_space<vmem>>[vector<16xi32>], vector<16xf32>,
      %convert_element_type3A_491 = arith.fptosi %get3A_436 : vector<16xf32> to vector<16xi32>
      %add3A_492 = arith.addi %broadcast_in_dim3A_86, %convert_element_type3A_491 : vector<16xi32>
      tpu.vector_store_idx %arg9[%add3A_458], %add3A_492 {add = true} : memref<256xi32, #tpu.memory_space<vmem>>[vector<16xi32>], vector<16xi32>,
      tpu.vector_store_idx %arg10[%add3A_458], %get3A_366 {add = true} : memref<256xf32, #tpu.memory_space<vmem>>[vector<16xi32>], vector<16xf32>,
      %convert_element_type3A_493 = arith.fptosi %get3A_438 : vector<16xf32> to vector<16xi32>
      %add3A_494 = arith.addi %broadcast_in_dim3A_86, %convert_element_type3A_493 : vector<16xi32>
      tpu.vector_store_idx %arg9[%add3A_464], %add3A_494 {add = true} : memref<256xi32, #tpu.memory_space<vmem>>[vector<16xi32>], vector<16xi32>,
      tpu.vector_store_idx %arg10[%add3A_464], %get3A_368 {add = true} : memref<256xf32, #tpu.memory_space<vmem>>[vector<16xi32>], vector<16xf32>,
      %convert_element_type3A_495 = arith.fptosi %get3A_440 : vector<16xf32> to vector<16xi32>
      %add3A_496 = arith.addi %broadcast_in_dim3A_86, %convert_element_type3A_495 : vector<16xi32>
      tpu.vector_store_idx %arg9[%add3A_470], %add3A_496 {add = true} : memref<256xi32, #tpu.memory_space<vmem>>[vector<16xi32>], vector<16xi32>,
      tpu.vector_store_idx %arg10[%add3A_470], %get3A_370 {add = true} : memref<256xf32, #tpu.memory_space<vmem>>[vector<16xi32>], vector<16xf32>,
      %convert_element_type3A_497 = arith.fptosi %get3A_442 : vector<16xf32> to vector<16xi32>
      %add3A_498 = arith.addi %broadcast_in_dim3A_86, %convert_element_type3A_497 : vector<16xi32>
      tpu.vector_store_idx %arg9[%add3A_476], %add3A_498 {add = true} : memref<256xi32, #tpu.memory_space<vmem>>[vector<16xi32>], vector<16xi32>,
      tpu.vector_store_idx %arg10[%add3A_476], %get3A_372 {add = true} : memref<256xf32, #tpu.memory_space<vmem>>[vector<16xi32>], vector<16xf32>,
      %convert_element_type3A_499 = arith.fptosi %get3A_444 : vector<16xf32> to vector<16xi32>
      %add3A_500 = arith.addi %broadcast_in_dim3A_86, %convert_element_type3A_499 : vector<16xi32>
      tpu.vector_store_idx %arg9[%add3A_482], %add3A_500 {add = true} : memref<256xi32, #tpu.memory_space<vmem>>[vector<16xi32>], vector<16xi32>,
      tpu.vector_store_idx %arg10[%add3A_482], %get3A_374 {add = true} : memref<256xf32, #tpu.memory_space<vmem>>[vector<16xi32>], vector<16xf32>,
      %convert_element_type3A_501 = arith.fptosi %get3A_446 : vector<16xf32> to vector<16xi32>
      %add3A_502 = arith.addi %broadcast_in_dim3A_86, %convert_element_type3A_501 : vector<16xi32>
      tpu.vector_store_idx %arg9[%add3A_488], %add3A_502 {add = true} : memref<256xi32, #tpu.memory_space<vmem>>[vector<16xi32>], vector<16xi32>,
      tpu.vector_store_idx %arg10[%add3A_488], %get3A_376 {add = true} : memref<256xf32, #tpu.memory_space<vmem>>[vector<16xi32>], vector<16xf32>,
      %get3A_503 = arith.constant 31040 : index
      %get3A_504 = tpu.vector_load %arg6[%get3A_503] {strides = array<i32>} : memref<31264xf32, #tpu.memory_space<vmem>>, vector<16xf32>,
      %get3A_505 = arith.constant 31056 : index
      %get3A_506 = tpu.vector_load %arg6[%get3A_505] {strides = array<i32>} : memref<31264xf32, #tpu.memory_space<vmem>>, vector<16xf32>,
      %get3A_507 = arith.constant 31072 : index
      %get3A_508 = tpu.vector_load %arg6[%get3A_507] {strides = array<i32>} : memref<31264xf32, #tpu.memory_space<vmem>>, vector<16xf32>,
      %get3A_509 = arith.constant 31088 : index
      %get3A_510 = tpu.vector_load %arg6[%get3A_509] {strides = array<i32>} : memref<31264xf32, #tpu.memory_space<vmem>>, vector<16xf32>,
      %get3A_511 = arith.constant 31104 : index
      %get3A_512 = tpu.vector_load %arg6[%get3A_511] {strides = array<i32>} : memref<31264xf32, #tpu.memory_space<vmem>>, vector<16xf32>,
      %get3A_513 = arith.constant 31120 : index
      %get3A_514 = tpu.vector_load %arg6[%get3A_513] {strides = array<i32>} : memref<31264xf32, #tpu.memory_space<vmem>>, vector<16xf32>,
      %get3A_515 = arith.constant 31136 : index
      %get3A_516 = tpu.vector_load %arg6[%get3A_515] {strides = array<i32>} : memref<31264xf32, #tpu.memory_space<vmem>>, vector<16xf32>,
      %mul3A_517 = arith.constant 1.500000e+01 : f32
      %mul3A_518 = vector.broadcast %mul3A_517 : f32 to vector<16xf32>
      %mul3A_519 = arith.mulf %get3A_504, %mul3A_518 : vector<16xf32>
      %convert_element_type3A_520 = arith.fptosi %mul3A_519 : vector<16xf32> to vector<16xi32>
      %min3A_521 = arith.constant 14 : i32
      %min3A_522 = vector.broadcast %min3A_521 : i32 to vector<16xi32>
      %min3A_523 = arith.minsi %convert_element_type3A_520, %min3A_522 : vector<16xi32>
      %mul3A_524 = arith.constant 1.500000e+01 : f32
      %mul3A_525 = vector.broadcast %mul3A_524 : f32 to vector<16xf32>
      %mul3A_526 = arith.mulf %get3A_506, %mul3A_525 : vector<16xf32>
      %convert_element_type3A_527 = arith.fptosi %mul3A_526 : vector<16xf32> to vector<16xi32>
      %min3A_528 = arith.constant 14 : i32
      %min3A_529 = vector.broadcast %min3A_528 : i32 to vector<16xi32>
      %min3A_530 = arith.minsi %convert_element_type3A_527, %min3A_529 : vector<16xi32>
      %mul3A_531 = arith.constant 1.500000e+01 : f32
      %mul3A_532 = vector.broadcast %mul3A_531 : f32 to vector<16xf32>
      %mul3A_533 = arith.mulf %get3A_508, %mul3A_532 : vector<16xf32>
      %convert_element_type3A_534 = arith.fptosi %mul3A_533 : vector<16xf32> to vector<16xi32>
      %min3A_535 = arith.constant 14 : i32
      %min3A_536 = vector.broadcast %min3A_535 : i32 to vector<16xi32>
      %min3A_537 = arith.minsi %convert_element_type3A_534, %min3A_536 : vector<16xi32>
      %mul3A_538 = arith.constant 1.500000e+01 : f32
      %mul3A_539 = vector.broadcast %mul3A_538 : f32 to vector<16xf32>
      %mul3A_540 = arith.mulf %get3A_510, %mul3A_539 : vector<16xf32>
      %convert_element_type3A_541 = arith.fptosi %mul3A_540 : vector<16xf32> to vector<16xi32>
      %min3A_542 = arith.constant 14 : i32
      %min3A_543 = vector.broadcast %min3A_542 : i32 to vector<16xi32>
      %min3A_544 = arith.minsi %convert_element_type3A_541, %min3A_543 : vector<16xi32>
      %mul3A_545 = arith.constant 1.500000e+01 : f32
      %mul3A_546 = vector.broadcast %mul3A_545 : f32 to vector<16xf32>
      %mul3A_547 = arith.mulf %get3A_512, %mul3A_546 : vector<16xf32>
      %convert_element_type3A_548 = arith.fptosi %mul3A_547 : vector<16xf32> to vector<16xi32>
      %min3A_549 = arith.constant 14 : i32
      %min3A_550 = vector.broadcast %min3A_549 : i32 to vector<16xi32>
      %min3A_551 = arith.minsi %convert_element_type3A_548, %min3A_550 : vector<16xi32>
      %mul3A_552 = arith.constant 1.500000e+01 : f32
      %mul3A_553 = vector.broadcast %mul3A_552 : f32 to vector<16xf32>
      %mul3A_554 = arith.mulf %get3A_514, %mul3A_553 : vector<16xf32>
      %convert_element_type3A_555 = arith.fptosi %mul3A_554 : vector<16xf32> to vector<16xi32>
      %min3A_556 = arith.constant 14 : i32
      %min3A_557 = vector.broadcast %min3A_556 : i32 to vector<16xi32>
      %min3A_558 = arith.minsi %convert_element_type3A_555, %min3A_557 : vector<16xi32>
      %mul3A_559 = arith.constant 1.500000e+01 : f32
      %mul3A_560 = vector.broadcast %mul3A_559 : f32 to vector<16xf32>
      %mul3A_561 = arith.mulf %get3A_516, %mul3A_560 : vector<16xf32>
      %convert_element_type3A_562 = arith.fptosi %mul3A_561 : vector<16xf32> to vector<16xi32>
      %min3A_563 = arith.constant 14 : i32
      %min3A_564 = vector.broadcast %min3A_563 : i32 to vector<16xi32>
      %min3A_565 = arith.minsi %convert_element_type3A_562, %min3A_564 : vector<16xi32>
      %gather3A_566 = tpu.vector_load_idx %arg8[%min3A_523] : memref<16xf32, #tpu.memory_space<vmem>>[vector<16xi32>], vector<16xf32>,
      %gather3A_567 = tpu.vector_load_idx %arg8[%min3A_530] : memref<16xf32, #tpu.memory_space<vmem>>[vector<16xi32>], vector<16xf32>,
      %gather3A_568 = tpu.vector_load_idx %arg8[%min3A_537] : memref<16xf32, #tpu.memory_space<vmem>>[vector<16xi32>], vector<16xf32>,
      %gather3A_569 = tpu.vector_load_idx %arg8[%min3A_544] : memref<16xf32, #tpu.memory_space<vmem>>[vector<16xi32>], vector<16xf32>,
      %gather3A_570 = tpu.vector_load_idx %arg8[%min3A_551] : memref<16xf32, #tpu.memory_space<vmem>>[vector<16xi32>], vector<16xf32>,
      %gather3A_571 = tpu.vector_load_idx %arg8[%min3A_558] : memref<16xf32, #tpu.memory_space<vmem>>[vector<16xi32>], vector<16xf32>,
      %gather3A_572 = tpu.vector_load_idx %arg8[%min3A_565] : memref<16xf32, #tpu.memory_space<vmem>>[vector<16xi32>], vector<16xf32>,
      %get3A_573 = arith.constant 31040 : index
      %get3A_574 = tpu.vector_load %arg7[%get3A_573] {strides = array<i32>} : memref<31264xf32, #tpu.memory_space<vmem>>, vector<16xf32>,
      %get3A_575 = arith.constant 31056 : index
      %get3A_576 = tpu.vector_load %arg7[%get3A_575] {strides = array<i32>} : memref<31264xf32, #tpu.memory_space<vmem>>, vector<16xf32>,
      %get3A_577 = arith.constant 31072 : index
      %get3A_578 = tpu.vector_load %arg7[%get3A_577] {strides = array<i32>} : memref<31264xf32, #tpu.memory_space<vmem>>, vector<16xf32>,
      %get3A_579 = arith.constant 31088 : index
      %get3A_580 = tpu.vector_load %arg7[%get3A_579] {strides = array<i32>} : memref<31264xf32, #tpu.memory_space<vmem>>, vector<16xf32>,
      %get3A_581 = arith.constant 31104 : index
      %get3A_582 = tpu.vector_load %arg7[%get3A_581] {strides = array<i32>} : memref<31264xf32, #tpu.memory_space<vmem>>, vector<16xf32>,
      %get3A_583 = arith.constant 31120 : index
      %get3A_584 = tpu.vector_load %arg7[%get3A_583] {strides = array<i32>} : memref<31264xf32, #tpu.memory_space<vmem>>, vector<16xf32>,
      %get3A_585 = arith.constant 31136 : index
      %get3A_586 = tpu.vector_load %arg7[%get3A_585] {strides = array<i32>} : memref<31264xf32, #tpu.memory_space<vmem>>, vector<16xf32>,
      %lt3A_587 = arith.cmpf olt, %get3A_504, %gather3A_566 : vector<16xf32>
      %sub3A_588 = arith.constant 1 : i32
      %sub3A_589 = vector.broadcast %sub3A_588 : i32 to vector<16xi32>
      %sub3A_590 = arith.subi %min3A_523, %sub3A_589 : vector<16xi32>
      %select_n3A_591 = arith.select %lt3A_587, %sub3A_590, %min3A_523 : vector<16xi1>, vector<16xi32>
      %add3A_592 = arith.addi %mul3A_84, %select_n3A_591 : vector<16xi32>
      %lt3A_593 = arith.cmpf olt, %get3A_506, %gather3A_567 : vector<16xf32>
      %sub3A_594 = arith.constant 1 : i32
      %sub3A_595 = vector.broadcast %sub3A_594 : i32 to vector<16xi32>
      %sub3A_596 = arith.subi %min3A_530, %sub3A_595 : vector<16xi32>
      %select_n3A_597 = arith.select %lt3A_593, %sub3A_596, %min3A_530 : vector<16xi1>, vector<16xi32>
      %add3A_598 = arith.addi %mul3A_84, %select_n3A_597 : vector<16xi32>
      %lt3A_599 = arith.cmpf olt, %get3A_508, %gather3A_568 : vector<16xf32>
      %sub3A_600 = arith.constant 1 : i32
      %sub3A_601 = vector.broadcast %sub3A_600 : i32 to vector<16xi32>
      %sub3A_602 = arith.subi %min3A_537, %sub3A_601 : vector<16xi32>
      %select_n3A_603 = arith.select %lt3A_599, %sub3A_602, %min3A_537 : vector<16xi1>, vector<16xi32>
      %add3A_604 = arith.addi %mul3A_84, %select_n3A_603 : vector<16xi32>
      %lt3A_605 = arith.cmpf olt, %get3A_510, %gather3A_569 : vector<16xf32>
      %sub3A_606 = arith.constant 1 : i32
      %sub3A_607 = vector.broadcast %sub3A_606 : i32 to vector<16xi32>
      %sub3A_608 = arith.subi %min3A_544, %sub3A_607 : vector<16xi32>
      %select_n3A_609 = arith.select %lt3A_605, %sub3A_608, %min3A_544 : vector<16xi1>, vector<16xi32>
      %add3A_610 = arith.addi %mul3A_84, %select_n3A_609 : vector<16xi32>
      %lt3A_611 = arith.cmpf olt, %get3A_512, %gather3A_570 : vector<16xf32>
      %sub3A_612 = arith.constant 1 : i32
      %sub3A_613 = vector.broadcast %sub3A_612 : i32 to vector<16xi32>
      %sub3A_614 = arith.subi %min3A_551, %sub3A_613 : vector<16xi32>
      %select_n3A_615 = arith.select %lt3A_611, %sub3A_614, %min3A_551 : vector<16xi1>, vector<16xi32>
      %add3A_616 = arith.addi %mul3A_84, %select_n3A_615 : vector<16xi32>
      %lt3A_617 = arith.cmpf olt, %get3A_514, %gather3A_571 : vector<16xf32>
      %sub3A_618 = arith.constant 1 : i32
      %sub3A_619 = vector.broadcast %sub3A_618 : i32 to vector<16xi32>
      %sub3A_620 = arith.subi %min3A_558, %sub3A_619 : vector<16xi32>
      %select_n3A_621 = arith.select %lt3A_617, %sub3A_620, %min3A_558 : vector<16xi1>, vector<16xi32>
      %add3A_622 = arith.addi %mul3A_84, %select_n3A_621 : vector<16xi32>
      %lt3A_623 = arith.cmpf olt, %get3A_516, %gather3A_572 : vector<16xf32>
      %sub3A_624 = arith.constant 1 : i32
      %sub3A_625 = vector.broadcast %sub3A_624 : i32 to vector<16xi32>
      %sub3A_626 = arith.subi %min3A_565, %sub3A_625 : vector<16xi32>
      %select_n3A_627 = arith.select %lt3A_623, %sub3A_626, %min3A_565 : vector<16xi1>, vector<16xi32>
      %add3A_628 = arith.addi %mul3A_84, %select_n3A_627 : vector<16xi32>
      %convert_element_type3A_629 = arith.fptosi %get3A_574 : vector<16xf32> to vector<16xi32>
      %add3A_630 = arith.addi %broadcast_in_dim3A_86, %convert_element_type3A_629 : vector<16xi32>
      tpu.vector_store_idx %arg9[%add3A_592], %add3A_630 {add = true} : memref<256xi32, #tpu.memory_space<vmem>>[vector<16xi32>], vector<16xi32>,
      tpu.vector_store_idx %arg10[%add3A_592], %get3A_504 {add = true} : memref<256xf32, #tpu.memory_space<vmem>>[vector<16xi32>], vector<16xf32>,
      %convert_element_type3A_631 = arith.fptosi %get3A_576 : vector<16xf32> to vector<16xi32>
      %add3A_632 = arith.addi %broadcast_in_dim3A_86, %convert_element_type3A_631 : vector<16xi32>
      tpu.vector_store_idx %arg9[%add3A_598], %add3A_632 {add = true} : memref<256xi32, #tpu.memory_space<vmem>>[vector<16xi32>], vector<16xi32>,
      tpu.vector_store_idx %arg10[%add3A_598], %get3A_506 {add = true} : memref<256xf32, #tpu.memory_space<vmem>>[vector<16xi32>], vector<16xf32>,
      %convert_element_type3A_633 = arith.fptosi %get3A_578 : vector<16xf32> to vector<16xi32>
      %add3A_634 = arith.addi %broadcast_in_dim3A_86, %convert_element_type3A_633 : vector<16xi32>
      tpu.vector_store_idx %arg9[%add3A_604], %add3A_634 {add = true} : memref<256xi32, #tpu.memory_space<vmem>>[vector<16xi32>], vector<16xi32>,
      tpu.vector_store_idx %arg10[%add3A_604], %get3A_508 {add = true} : memref<256xf32, #tpu.memory_space<vmem>>[vector<16xi32>], vector<16xf32>,
      %convert_element_type3A_635 = arith.fptosi %get3A_580 : vector<16xf32> to vector<16xi32>
      %add3A_636 = arith.addi %broadcast_in_dim3A_86, %convert_element_type3A_635 : vector<16xi32>
      tpu.vector_store_idx %arg9[%add3A_610], %add3A_636 {add = true} : memref<256xi32, #tpu.memory_space<vmem>>[vector<16xi32>], vector<16xi32>,
      tpu.vector_store_idx %arg10[%add3A_610], %get3A_510 {add = true} : memref<256xf32, #tpu.memory_space<vmem>>[vector<16xi32>], vector<16xf32>,
      %convert_element_type3A_637 = arith.fptosi %get3A_582 : vector<16xf32> to vector<16xi32>
      %add3A_638 = arith.addi %broadcast_in_dim3A_86, %convert_element_type3A_637 : vector<16xi32>
      tpu.vector_store_idx %arg9[%add3A_616], %add3A_638 {add = true} : memref<256xi32, #tpu.memory_space<vmem>>[vector<16xi32>], vector<16xi32>,
      tpu.vector_store_idx %arg10[%add3A_616], %get3A_512 {add = true} : memref<256xf32, #tpu.memory_space<vmem>>[vector<16xi32>], vector<16xf32>,
      %convert_element_type3A_639 = arith.fptosi %get3A_584 : vector<16xf32> to vector<16xi32>
      %add3A_640 = arith.addi %broadcast_in_dim3A_86, %convert_element_type3A_639 : vector<16xi32>
      tpu.vector_store_idx %arg9[%add3A_622], %add3A_640 {add = true} : memref<256xi32, #tpu.memory_space<vmem>>[vector<16xi32>], vector<16xi32>,
      tpu.vector_store_idx %arg10[%add3A_622], %get3A_514 {add = true} : memref<256xf32, #tpu.memory_space<vmem>>[vector<16xi32>], vector<16xf32>,
      %convert_element_type3A_641 = arith.fptosi %get3A_586 : vector<16xf32> to vector<16xi32>
      %add3A_642 = arith.addi %broadcast_in_dim3A_86, %convert_element_type3A_641 : vector<16xi32>
      tpu.vector_store_idx %arg9[%add3A_628], %add3A_642 {add = true} : memref<256xi32, #tpu.memory_space<vmem>>[vector<16xi32>], vector<16xi32>,
      tpu.vector_store_idx %arg10[%add3A_628], %get3A_516 {add = true} : memref<256xf32, #tpu.memory_space<vmem>>[vector<16xi32>], vector<16xf32>,
      %get3A_643 = arith.constant 31152 : index
      %get3A_644 = tpu.vector_load %arg6[%get3A_643] {strides = array<i32>} : memref<31264xf32, #tpu.memory_space<vmem>>, vector<16xf32>,
      %get3A_645 = arith.constant 31168 : index
      %get3A_646 = tpu.vector_load %arg6[%get3A_645] {strides = array<i32>} : memref<31264xf32, #tpu.memory_space<vmem>>, vector<16xf32>,
      %get3A_647 = arith.constant 31184 : index
      %get3A_648 = tpu.vector_load %arg6[%get3A_647] {strides = array<i32>} : memref<31264xf32, #tpu.memory_space<vmem>>, vector<16xf32>,
      %get3A_649 = arith.constant 31200 : index
      %get3A_650 = tpu.vector_load %arg6[%get3A_649] {strides = array<i32>} : memref<31264xf32, #tpu.memory_space<vmem>>, vector<16xf32>,
      %get3A_651 = arith.constant 31216 : index
      %get3A_652 = tpu.vector_load %arg6[%get3A_651] {strides = array<i32>} : memref<31264xf32, #tpu.memory_space<vmem>>, vector<16xf32>,
      %get3A_653 = arith.constant 31232 : index
      %get3A_654 = tpu.vector_load %arg6[%get3A_653] {strides = array<i32>} : memref<31264xf32, #tpu.memory_space<vmem>>, vector<16xf32>,
      %get3A_655 = arith.constant 31248 : index
      %get3A_656 = tpu.vector_load %arg6[%get3A_655] {strides = array<i32>} : memref<31264xf32, #tpu.memory_space<vmem>>, vector<16xf32>,
      %mul3A_657 = arith.constant 1.500000e+01 : f32
      %mul3A_658 = vector.broadcast %mul3A_657 : f32 to vector<16xf32>
      %mul3A_659 = arith.mulf %get3A_644, %mul3A_658 : vector<16xf32>
      %convert_element_type3A_660 = arith.fptosi %mul3A_659 : vector<16xf32> to vector<16xi32>
      %min3A_661 = arith.constant 14 : i32
      %min3A_662 = vector.broadcast %min3A_661 : i32 to vector<16xi32>
      %min3A_663 = arith.minsi %convert_element_type3A_660, %min3A_662 : vector<16xi32>
      %mul3A_664 = arith.constant 1.500000e+01 : f32
      %mul3A_665 = vector.broadcast %mul3A_664 : f32 to vector<16xf32>
      %mul3A_666 = arith.mulf %get3A_646, %mul3A_665 : vector<16xf32>
      %convert_element_type3A_667 = arith.fptosi %mul3A_666 : vector<16xf32> to vector<16xi32>
      %min3A_668 = arith.constant 14 : i32
      %min3A_669 = vector.broadcast %min3A_668 : i32 to vector<16xi32>
      %min3A_670 = arith.minsi %convert_element_type3A_667, %min3A_669 : vector<16xi32>
      %mul3A_671 = arith.constant 1.500000e+01 : f32
      %mul3A_672 = vector.broadcast %mul3A_671 : f32 to vector<16xf32>
      %mul3A_673 = arith.mulf %get3A_648, %mul3A_672 : vector<16xf32>
      %convert_element_type3A_674 = arith.fptosi %mul3A_673 : vector<16xf32> to vector<16xi32>
      %min3A_675 = arith.constant 14 : i32
      %min3A_676 = vector.broadcast %min3A_675 : i32 to vector<16xi32>
      %min3A_677 = arith.minsi %convert_element_type3A_674, %min3A_676 : vector<16xi32>
      %mul3A_678 = arith.constant 1.500000e+01 : f32
      %mul3A_679 = vector.broadcast %mul3A_678 : f32 to vector<16xf32>
      %mul3A_680 = arith.mulf %get3A_650, %mul3A_679 : vector<16xf32>
      %convert_element_type3A_681 = arith.fptosi %mul3A_680 : vector<16xf32> to vector<16xi32>
      %min3A_682 = arith.constant 14 : i32
      %min3A_683 = vector.broadcast %min3A_682 : i32 to vector<16xi32>
      %min3A_684 = arith.minsi %convert_element_type3A_681, %min3A_683 : vector<16xi32>
      %mul3A_685 = arith.constant 1.500000e+01 : f32
      %mul3A_686 = vector.broadcast %mul3A_685 : f32 to vector<16xf32>
      %mul3A_687 = arith.mulf %get3A_652, %mul3A_686 : vector<16xf32>
      %convert_element_type3A_688 = arith.fptosi %mul3A_687 : vector<16xf32> to vector<16xi32>
      %min3A_689 = arith.constant 14 : i32
      %min3A_690 = vector.broadcast %min3A_689 : i32 to vector<16xi32>
      %min3A_691 = arith.minsi %convert_element_type3A_688, %min3A_690 : vector<16xi32>
      %mul3A_692 = arith.constant 1.500000e+01 : f32
      %mul3A_693 = vector.broadcast %mul3A_692 : f32 to vector<16xf32>
      %mul3A_694 = arith.mulf %get3A_654, %mul3A_693 : vector<16xf32>
      %convert_element_type3A_695 = arith.fptosi %mul3A_694 : vector<16xf32> to vector<16xi32>
      %min3A_696 = arith.constant 14 : i32
      %min3A_697 = vector.broadcast %min3A_696 : i32 to vector<16xi32>
      %min3A_698 = arith.minsi %convert_element_type3A_695, %min3A_697 : vector<16xi32>
      %mul3A_699 = arith.constant 1.500000e+01 : f32
      %mul3A_700 = vector.broadcast %mul3A_699 : f32 to vector<16xf32>
      %mul3A_701 = arith.mulf %get3A_656, %mul3A_700 : vector<16xf32>
      %convert_element_type3A_702 = arith.fptosi %mul3A_701 : vector<16xf32> to vector<16xi32>
      %min3A_703 = arith.constant 14 : i32
      %min3A_704 = vector.broadcast %min3A_703 : i32 to vector<16xi32>
      %min3A_705 = arith.minsi %convert_element_type3A_702, %min3A_704 : vector<16xi32>
      %gather3A_706 = tpu.vector_load_idx %arg8[%min3A_663] : memref<16xf32, #tpu.memory_space<vmem>>[vector<16xi32>], vector<16xf32>,
      %gather3A_707 = tpu.vector_load_idx %arg8[%min3A_670] : memref<16xf32, #tpu.memory_space<vmem>>[vector<16xi32>], vector<16xf32>,
      %gather3A_708 = tpu.vector_load_idx %arg8[%min3A_677] : memref<16xf32, #tpu.memory_space<vmem>>[vector<16xi32>], vector<16xf32>,
      %gather3A_709 = tpu.vector_load_idx %arg8[%min3A_684] : memref<16xf32, #tpu.memory_space<vmem>>[vector<16xi32>], vector<16xf32>,
      %gather3A_710 = tpu.vector_load_idx %arg8[%min3A_691] : memref<16xf32, #tpu.memory_space<vmem>>[vector<16xi32>], vector<16xf32>,
      %gather3A_711 = tpu.vector_load_idx %arg8[%min3A_698] : memref<16xf32, #tpu.memory_space<vmem>>[vector<16xi32>], vector<16xf32>,
      %gather3A_712 = tpu.vector_load_idx %arg8[%min3A_705] : memref<16xf32, #tpu.memory_space<vmem>>[vector<16xi32>], vector<16xf32>,
      %get3A_713 = arith.constant 31152 : index
      %get3A_714 = tpu.vector_load %arg7[%get3A_713] {strides = array<i32>} : memref<31264xf32, #tpu.memory_space<vmem>>, vector<16xf32>,
      %get3A_715 = arith.constant 31168 : index
      %get3A_716 = tpu.vector_load %arg7[%get3A_715] {strides = array<i32>} : memref<31264xf32, #tpu.memory_space<vmem>>, vector<16xf32>,
      %get3A_717 = arith.constant 31184 : index
      %get3A_718 = tpu.vector_load %arg7[%get3A_717] {strides = array<i32>} : memref<31264xf32, #tpu.memory_space<vmem>>, vector<16xf32>,
      %get3A_719 = arith.constant 31200 : index
      %get3A_720 = tpu.vector_load %arg7[%get3A_719] {strides = array<i32>} : memref<31264xf32, #tpu.memory_space<vmem>>, vector<16xf32>,
      %get3A_721 = arith.constant 31216 : index
      %get3A_722 = tpu.vector_load %arg7[%get3A_721] {strides = array<i32>} : memref<31264xf32, #tpu.memory_space<vmem>>, vector<16xf32>,
      %get3A_723 = arith.constant 31232 : index
      %get3A_724 = tpu.vector_load %arg7[%get3A_723] {strides = array<i32>} : memref<31264xf32, #tpu.memory_space<vmem>>, vector<16xf32>,
      %get3A_725 = arith.constant 31248 : index
      %get3A_726 = tpu.vector_load %arg7[%get3A_725] {strides = array<i32>} : memref<31264xf32, #tpu.memory_space<vmem>>, vector<16xf32>,
      %lt3A_727 = arith.cmpf olt, %get3A_644, %gather3A_706 : vector<16xf32>
      %sub3A_728 = arith.constant 1 : i32
      %sub3A_729 = vector.broadcast %sub3A_728 : i32 to vector<16xi32>
      %sub3A_730 = arith.subi %min3A_663, %sub3A_729 : vector<16xi32>
      %select_n3A_731 = arith.select %lt3A_727, %sub3A_730, %min3A_663 : vector<16xi1>, vector<16xi32>
      %add3A_732 = arith.addi %mul3A_84, %select_n3A_731 : vector<16xi32>
      %lt3A_733 = arith.cmpf olt, %get3A_646, %gather3A_707 : vector<16xf32>
      %sub3A_734 = arith.constant 1 : i32
      %sub3A_735 = vector.broadcast %sub3A_734 : i32 to vector<16xi32>
      %sub3A_736 = arith.subi %min3A_670, %sub3A_735 : vector<16xi32>
      %select_n3A_737 = arith.select %lt3A_733, %sub3A_736, %min3A_670 : vector<16xi1>, vector<16xi32>
      %add3A_738 = arith.addi %mul3A_84, %select_n3A_737 : vector<16xi32>
      %lt3A_739 = arith.cmpf olt, %get3A_648, %gather3A_708 : vector<16xf32>
      %sub3A_740 = arith.constant 1 : i32
      %sub3A_741 = vector.broadcast %sub3A_740 : i32 to vector<16xi32>
      %sub3A_742 = arith.subi %min3A_677, %sub3A_741 : vector<16xi32>
      %select_n3A_743 = arith.select %lt3A_739, %sub3A_742, %min3A_677 : vector<16xi1>, vector<16xi32>
      %add3A_744 = arith.addi %mul3A_84, %select_n3A_743 : vector<16xi32>
      %lt3A_745 = arith.cmpf olt, %get3A_650, %gather3A_709 : vector<16xf32>
      %sub3A_746 = arith.constant 1 : i32
      %sub3A_747 = vector.broadcast %sub3A_746 : i32 to vector<16xi32>
      %sub3A_748 = arith.subi %min3A_684, %sub3A_747 : vector<16xi32>
      %select_n3A_749 = arith.select %lt3A_745, %sub3A_748, %min3A_684 : vector<16xi1>, vector<16xi32>
      %add3A_750 = arith.addi %mul3A_84, %select_n3A_749 : vector<16xi32>
      %lt3A_751 = arith.cmpf olt, %get3A_652, %gather3A_710 : vector<16xf32>
      %sub3A_752 = arith.constant 1 : i32
      %sub3A_753 = vector.broadcast %sub3A_752 : i32 to vector<16xi32>
      %sub3A_754 = arith.subi %min3A_691, %sub3A_753 : vector<16xi32>
      %select_n3A_755 = arith.select %lt3A_751, %sub3A_754, %min3A_691 : vector<16xi1>, vector<16xi32>
      %add3A_756 = arith.addi %mul3A_84, %select_n3A_755 : vector<16xi32>
      %lt3A_757 = arith.cmpf olt, %get3A_654, %gather3A_711 : vector<16xf32>
      %sub3A_758 = arith.constant 1 : i32
      %sub3A_759 = vector.broadcast %sub3A_758 : i32 to vector<16xi32>
      %sub3A_760 = arith.subi %min3A_698, %sub3A_759 : vector<16xi32>
      %select_n3A_761 = arith.select %lt3A_757, %sub3A_760, %min3A_698 : vector<16xi1>, vector<16xi32>
      %add3A_762 = arith.addi %mul3A_84, %select_n3A_761 : vector<16xi32>
      %lt3A_763 = arith.cmpf olt, %get3A_656, %gather3A_712 : vector<16xf32>
      %sub3A_764 = arith.constant 1 : i32
      %sub3A_765 = vector.broadcast %sub3A_764 : i32 to vector<16xi32>
      %sub3A_766 = arith.subi %min3A_705, %sub3A_765 : vector<16xi32>
      %select_n3A_767 = arith.select %lt3A_763, %sub3A_766, %min3A_705 : vector<16xi1>, vector<16xi32>
      %add3A_768 = arith.addi %mul3A_84, %select_n3A_767 : vector<16xi32>
      %convert_element_type3A_769 = arith.fptosi %get3A_714 : vector<16xf32> to vector<16xi32>
      %add3A_770 = arith.addi %broadcast_in_dim3A_86, %convert_element_type3A_769 : vector<16xi32>
      tpu.vector_store_idx %arg9[%add3A_732], %add3A_770 {add = true} : memref<256xi32, #tpu.memory_space<vmem>>[vector<16xi32>], vector<16xi32>,
      tpu.vector_store_idx %arg10[%add3A_732], %get3A_644 {add = true} : memref<256xf32, #tpu.memory_space<vmem>>[vector<16xi32>], vector<16xf32>,
      %convert_element_type3A_771 = arith.fptosi %get3A_716 : vector<16xf32> to vector<16xi32>
      %add3A_772 = arith.addi %broadcast_in_dim3A_86, %convert_element_type3A_771 : vector<16xi32>
      tpu.vector_store_idx %arg9[%add3A_738], %add3A_772 {add = true} : memref<256xi32, #tpu.memory_space<vmem>>[vector<16xi32>], vector<16xi32>,
      tpu.vector_store_idx %arg10[%add3A_738], %get3A_646 {add = true} : memref<256xf32, #tpu.memory_space<vmem>>[vector<16xi32>], vector<16xf32>,
      %convert_element_type3A_773 = arith.fptosi %get3A_718 : vector<16xf32> to vector<16xi32>
      %add3A_774 = arith.addi %broadcast_in_dim3A_86, %convert_element_type3A_773 : vector<16xi32>
      tpu.vector_store_idx %arg9[%add3A_744], %add3A_774 {add = true} : memref<256xi32, #tpu.memory_space<vmem>>[vector<16xi32>], vector<16xi32>,
      tpu.vector_store_idx %arg10[%add3A_744], %get3A_648 {add = true} : memref<256xf32, #tpu.memory_space<vmem>>[vector<16xi32>], vector<16xf32>,
      %convert_element_type3A_775 = arith.fptosi %get3A_720 : vector<16xf32> to vector<16xi32>
      %add3A_776 = arith.addi %broadcast_in_dim3A_86, %convert_element_type3A_775 : vector<16xi32>
      tpu.vector_store_idx %arg9[%add3A_750], %add3A_776 {add = true} : memref<256xi32, #tpu.memory_space<vmem>>[vector<16xi32>], vector<16xi32>,
      tpu.vector_store_idx %arg10[%add3A_750], %get3A_650 {add = true} : memref<256xf32, #tpu.memory_space<vmem>>[vector<16xi32>], vector<16xf32>,
      %convert_element_type3A_777 = arith.fptosi %get3A_722 : vector<16xf32> to vector<16xi32>
      %add3A_778 = arith.addi %broadcast_in_dim3A_86, %convert_element_type3A_777 : vector<16xi32>
      tpu.vector_store_idx %arg9[%add3A_756], %add3A_778 {add = true} : memref<256xi32, #tpu.memory_space<vmem>>[vector<16xi32>], vector<16xi32>,
      tpu.vector_store_idx %arg10[%add3A_756], %get3A_652 {add = true} : memref<256xf32, #tpu.memory_space<vmem>>[vector<16xi32>], vector<16xf32>,
      %convert_element_type3A_779 = arith.fptosi %get3A_724 : vector<16xf32> to vector<16xi32>
      %add3A_780 = arith.addi %broadcast_in_dim3A_86, %convert_element_type3A_779 : vector<16xi32>
      tpu.vector_store_idx %arg9[%add3A_762], %add3A_780 {add = true} : memref<256xi32, #tpu.memory_space<vmem>>[vector<16xi32>], vector<16xi32>,
      tpu.vector_store_idx %arg10[%add3A_762], %get3A_654 {add = true} : memref<256xf32, #tpu.memory_space<vmem>>[vector<16xi32>], vector<16xf32>,
      %convert_element_type3A_781 = arith.fptosi %get3A_726 : vector<16xf32> to vector<16xi32>
      %add3A_782 = arith.addi %broadcast_in_dim3A_86, %convert_element_type3A_781 : vector<16xi32>
      tpu.vector_store_idx %arg9[%add3A_768], %add3A_782 {add = true} : memref<256xi32, #tpu.memory_space<vmem>>[vector<16xi32>], vector<16xi32>,
      tpu.vector_store_idx %arg10[%add3A_768], %get3A_656 {add = true} : memref<256xf32, #tpu.memory_space<vmem>>[vector<16xi32>], vector<16xf32>,
    } else {
    }
    %get3A = arith.constant 0 : index
    %get3A_106 = tpu.vector_load %arg9[%get3A] {strides = array<i32>} : memref<256xi32, #tpu.memory_space<vmem>>, vector<16xi32>,
    %get3A_107 = arith.constant 0 : index
    %get3A_108 = tpu.vector_load %arg10[%get3A_107] {strides = array<i32>} : memref<256xf32, #tpu.memory_space<vmem>>, vector<16xf32>,
    %get3A_109 = arith.constant 16 : index
    %get3A_110 = tpu.vector_load %arg9[%get3A_109] {strides = array<i32>} : memref<256xi32, #tpu.memory_space<vmem>>, vector<16xi32>,
    %add3A_111 = arith.addi %get3A_106, %get3A_110 : vector<16xi32>
    %get3A_112 = arith.constant 16 : index
    %get3A_113 = tpu.vector_load %arg10[%get3A_112] {strides = array<i32>} : memref<256xf32, #tpu.memory_space<vmem>>, vector<16xf32>,
    %add3A_114 = arith.addf %get3A_108, %get3A_113 : vector<16xf32>
    %get3A_115 = arith.constant 32 : index
    %get3A_116 = tpu.vector_load %arg9[%get3A_115] {strides = array<i32>} : memref<256xi32, #tpu.memory_space<vmem>>, vector<16xi32>,
    %add3A_117 = arith.addi %add3A_111, %get3A_116 : vector<16xi32>
    %get3A_118 = arith.constant 32 : index
    %get3A_119 = tpu.vector_load %arg10[%get3A_118] {strides = array<i32>} : memref<256xf32, #tpu.memory_space<vmem>>, vector<16xf32>,
    %add3A_120 = arith.addf %add3A_114, %get3A_119 : vector<16xf32>
    %get3A_121 = arith.constant 48 : index
    %get3A_122 = tpu.vector_load %arg9[%get3A_121] {strides = array<i32>} : memref<256xi32, #tpu.memory_space<vmem>>, vector<16xi32>,
    %add3A_123 = arith.addi %add3A_117, %get3A_122 : vector<16xi32>
    %get3A_124 = arith.constant 48 : index
    %get3A_125 = tpu.vector_load %arg10[%get3A_124] {strides = array<i32>} : memref<256xf32, #tpu.memory_space<vmem>>, vector<16xf32>,
    %add3A_126 = arith.addf %add3A_120, %get3A_125 : vector<16xf32>
    %get3A_127 = arith.constant 64 : index
    %get3A_128 = tpu.vector_load %arg9[%get3A_127] {strides = array<i32>} : memref<256xi32, #tpu.memory_space<vmem>>, vector<16xi32>,
    %add3A_129 = arith.addi %add3A_123, %get3A_128 : vector<16xi32>
    %get3A_130 = arith.constant 64 : index
    %get3A_131 = tpu.vector_load %arg10[%get3A_130] {strides = array<i32>} : memref<256xf32, #tpu.memory_space<vmem>>, vector<16xf32>,
    %add3A_132 = arith.addf %add3A_126, %get3A_131 : vector<16xf32>
    %get3A_133 = arith.constant 80 : index
    %get3A_134 = tpu.vector_load %arg9[%get3A_133] {strides = array<i32>} : memref<256xi32, #tpu.memory_space<vmem>>, vector<16xi32>,
    %add3A_135 = arith.addi %add3A_129, %get3A_134 : vector<16xi32>
    %get3A_136 = arith.constant 80 : index
    %get3A_137 = tpu.vector_load %arg10[%get3A_136] {strides = array<i32>} : memref<256xf32, #tpu.memory_space<vmem>>, vector<16xf32>,
    %add3A_138 = arith.addf %add3A_132, %get3A_137 : vector<16xf32>
    %get3A_139 = arith.constant 96 : index
    %get3A_140 = tpu.vector_load %arg9[%get3A_139] {strides = array<i32>} : memref<256xi32, #tpu.memory_space<vmem>>, vector<16xi32>,
    %add3A_141 = arith.addi %add3A_135, %get3A_140 : vector<16xi32>
    %get3A_142 = arith.constant 96 : index
    %get3A_143 = tpu.vector_load %arg10[%get3A_142] {strides = array<i32>} : memref<256xf32, #tpu.memory_space<vmem>>, vector<16xf32>,
    %add3A_144 = arith.addf %add3A_138, %get3A_143 : vector<16xf32>
    %get3A_145 = arith.constant 112 : index
    %get3A_146 = tpu.vector_load %arg9[%get3A_145] {strides = array<i32>} : memref<256xi32, #tpu.memory_space<vmem>>, vector<16xi32>,
    %add3A_147 = arith.addi %add3A_141, %get3A_146 : vector<16xi32>
    %get3A_148 = arith.constant 112 : index
    %get3A_149 = tpu.vector_load %arg10[%get3A_148] {strides = array<i32>} : memref<256xf32, #tpu.memory_space<vmem>>, vector<16xf32>,
    %add3A_150 = arith.addf %add3A_144, %get3A_149 : vector<16xf32>
    %get3A_151 = arith.constant 128 : index
    %get3A_152 = tpu.vector_load %arg9[%get3A_151] {strides = array<i32>} : memref<256xi32, #tpu.memory_space<vmem>>, vector<16xi32>,
    %add3A_153 = arith.addi %add3A_147, %get3A_152 : vector<16xi32>
    %get3A_154 = arith.constant 128 : index
    %get3A_155 = tpu.vector_load %arg10[%get3A_154] {strides = array<i32>} : memref<256xf32, #tpu.memory_space<vmem>>, vector<16xf32>,
    %add3A_156 = arith.addf %add3A_150, %get3A_155 : vector<16xf32>
    %get3A_157 = arith.constant 144 : index
    %get3A_158 = tpu.vector_load %arg9[%get3A_157] {strides = array<i32>} : memref<256xi32, #tpu.memory_space<vmem>>, vector<16xi32>,
    %add3A_159 = arith.addi %add3A_153, %get3A_158 : vector<16xi32>
    %get3A_160 = arith.constant 144 : index
    %get3A_161 = tpu.vector_load %arg10[%get3A_160] {strides = array<i32>} : memref<256xf32, #tpu.memory_space<vmem>>, vector<16xf32>,
    %add3A_162 = arith.addf %add3A_156, %get3A_161 : vector<16xf32>
    %get3A_163 = arith.constant 160 : index
    %get3A_164 = tpu.vector_load %arg9[%get3A_163] {strides = array<i32>} : memref<256xi32, #tpu.memory_space<vmem>>, vector<16xi32>,
    %add3A_165 = arith.addi %add3A_159, %get3A_164 : vector<16xi32>
    %get3A_166 = arith.constant 160 : index
    %get3A_167 = tpu.vector_load %arg10[%get3A_166] {strides = array<i32>} : memref<256xf32, #tpu.memory_space<vmem>>, vector<16xf32>,
    %add3A_168 = arith.addf %add3A_162, %get3A_167 : vector<16xf32>
    %get3A_169 = arith.constant 176 : index
    %get3A_170 = tpu.vector_load %arg9[%get3A_169] {strides = array<i32>} : memref<256xi32, #tpu.memory_space<vmem>>, vector<16xi32>,
    %add3A_171 = arith.addi %add3A_165, %get3A_170 : vector<16xi32>
    %get3A_172 = arith.constant 176 : index
    %get3A_173 = tpu.vector_load %arg10[%get3A_172] {strides = array<i32>} : memref<256xf32, #tpu.memory_space<vmem>>, vector<16xf32>,
    %add3A_174 = arith.addf %add3A_168, %get3A_173 : vector<16xf32>
    %get3A_175 = arith.constant 192 : index
    %get3A_176 = tpu.vector_load %arg9[%get3A_175] {strides = array<i32>} : memref<256xi32, #tpu.memory_space<vmem>>, vector<16xi32>,
    %add3A_177 = arith.addi %add3A_171, %get3A_176 : vector<16xi32>
    %get3A_178 = arith.constant 192 : index
    %get3A_179 = tpu.vector_load %arg10[%get3A_178] {strides = array<i32>} : memref<256xf32, #tpu.memory_space<vmem>>, vector<16xf32>,
    %add3A_180 = arith.addf %add3A_174, %get3A_179 : vector<16xf32>
    %get3A_181 = arith.constant 208 : index
    %get3A_182 = tpu.vector_load %arg9[%get3A_181] {strides = array<i32>} : memref<256xi32, #tpu.memory_space<vmem>>, vector<16xi32>,
    %add3A_183 = arith.addi %add3A_177, %get3A_182 : vector<16xi32>
    %get3A_184 = arith.constant 208 : index
    %get3A_185 = tpu.vector_load %arg10[%get3A_184] {strides = array<i32>} : memref<256xf32, #tpu.memory_space<vmem>>, vector<16xf32>,
    %add3A_186 = arith.addf %add3A_180, %get3A_185 : vector<16xf32>
    %get3A_187 = arith.constant 224 : index
    %get3A_188 = tpu.vector_load %arg9[%get3A_187] {strides = array<i32>} : memref<256xi32, #tpu.memory_space<vmem>>, vector<16xi32>,
    %add3A_189 = arith.addi %add3A_183, %get3A_188 : vector<16xi32>
    %get3A_190 = arith.constant 224 : index
    %get3A_191 = tpu.vector_load %arg10[%get3A_190] {strides = array<i32>} : memref<256xf32, #tpu.memory_space<vmem>>, vector<16xf32>,
    %add3A_192 = arith.addf %add3A_186, %get3A_191 : vector<16xf32>
    %get3A_193 = arith.constant 240 : index
    %get3A_194 = tpu.vector_load %arg9[%get3A_193] {strides = array<i32>} : memref<256xi32, #tpu.memory_space<vmem>>, vector<16xi32>,
    %add3A_195 = arith.addi %add3A_189, %get3A_194 : vector<16xi32>
    %get3A_196 = arith.constant 240 : index
    %get3A_197 = tpu.vector_load %arg10[%get3A_196] {strides = array<i32>} : memref<256xf32, #tpu.memory_space<vmem>>, vector<16xf32>,
    %add3A_198 = arith.addf %add3A_192, %get3A_197 : vector<16xf32>
    %shift_right_logical3A = arith.constant 16 : i32
    %shift_right_logical3A_199 = vector.broadcast %shift_right_logical3A : i32 to vector<16xi32>
    %shift_right_logical3A_200 = arith.shrui %add3A_195, %shift_right_logical3A_199 : vector<16xi32>
    %convert_element_type3A_201 = arith.sitofp %shift_right_logical3A_200 : vector<16xi32> to vector<16xf32>
    %swap3A_202 = arith.constant 0 : index
    %swap3A_203 = tpu.vector_load %arg11[%swap3A_202] {strides = array<i32>} : memref<48xf32, #tpu.memory_space<vmem>>, vector<16xf32>,
    tpu.vector_store %arg11[%swap3A_202], %convert_element_type3A_201 {strides = array<i32>} : memref<48xf32, #tpu.memory_space<vmem>>, vector<16xf32>,
    %swap3A_204 = arith.constant 16 : index
    %swap3A_205 = tpu.vector_load %arg11[%swap3A_204] {strides = array<i32>} : memref<48xf32, #tpu.memory_space<vmem>>, vector<16xf32>,
    tpu.vector_store %arg11[%swap3A_204], %add3A_198 {strides = array<i32>} : memref<48xf32, #tpu.memory_space<vmem>>, vector<16xf32>,
    %and3A = arith.constant 65535 : i32
    %and3A_206 = vector.broadcast %and3A : i32 to vector<16xi32>
    %and3A_207 = arith.andi %add3A_195, %and3A_206 : vector<16xi32>
    %convert_element_type3A_208 = arith.sitofp %and3A_207 : vector<16xi32> to vector<16xf32>
    %swap3A_209 = arith.constant 32 : index
    %swap3A_210 = tpu.vector_load %arg11[%swap3A_209] {strides = array<i32>} : memref<48xf32, #tpu.memory_space<vmem>>, vector<16xf32>,
    tpu.vector_store %arg11[%swap3A_209], %convert_element_type3A_208 {strides = array<i32>} : memref<48xf32, #tpu.memory_space<vmem>>, vector<16xf32>,
    "tpu.region"() ({
      %run_scoped3A = tpu.sem_alloc : memref<!tpu.dma_semaphore, #tpu.memory_space<semaphore_mem>>
      %dma_start3A_211 = arith.constant 0 : i32
      %dma_start3A_212 = tpu.memref_slice %arg5[%add3A, %dma_start3A_211] : memref<32x48xf32, #tpu.memory_space<hbm>> -> memref<1x48xf32, #tpu.memory_space<hbm>>
      %dma_start3A_213 = tpu.memref_squeeze %dma_start3A_212 : memref<1x48xf32, #tpu.memory_space<hbm>> -> memref<48xf32, #tpu.memory_space<hbm>>
      %dma_start3A_214 = arith.constant 0 : i32
      %dma_start3A_215 = tpu.memref_slice %arg5[%add3A, %dma_start3A_214] : memref<32x48xf32, #tpu.memory_space<hbm>> -> memref<1x48xf32, #tpu.memory_space<hbm>>
      %dma_start3A_216 = tpu.memref_squeeze %dma_start3A_215 : memref<1x48xf32, #tpu.memory_space<hbm>> -> memref<48xf32, #tpu.memory_space<hbm>>
      tpu.enqueue_dma source(%arg11 : memref<48xf32, #tpu.memory_space<vmem>>) target(%dma_start3A_216 : memref<48xf32, #tpu.memory_space<hbm>>) target_semaphore(%run_scoped3A : memref<!tpu.dma_semaphore, #tpu.memory_space<semaphore_mem>>)
      %dma_wait3A_217 = arith.constant 0 : i32
      %dma_wait3A_218 = tpu.memref_slice %arg5[%add3A, %dma_wait3A_217] : memref<32x48xf32, #tpu.memory_space<hbm>> -> memref<1x48xf32, #tpu.memory_space<hbm>>
      %dma_wait3A_219 = tpu.memref_squeeze %dma_wait3A_218 : memref<1x48xf32, #tpu.memory_space<hbm>> -> memref<48xf32, #tpu.memory_space<hbm>>
      %dma_wait3A_220 = arith.constant 0 : i32
      %dma_wait3A_221 = tpu.memref_slice %arg5[%add3A, %dma_wait3A_220] : memref<32x48xf32, #tpu.memory_space<hbm>> -> memref<1x48xf32, #tpu.memory_space<hbm>>
      %dma_wait3A_222 = tpu.memref_squeeze %dma_wait3A_221 : memref<1x48xf32, #tpu.memory_space<hbm>> -> memref<48xf32, #tpu.memory_space<hbm>>
      tpu.wait_dma2 semaphore(%run_scoped3A : memref<!tpu.dma_semaphore, #tpu.memory_space<semaphore_mem>>) src(%arg11 : memref<48xf32, #tpu.memory_space<vmem>>) dst(%dma_wait3A_222 : memref<48xf32, #tpu.memory_space<hbm>>)
      tpu.yield
    }) : () -> ()
    return
  }
}

module attributes {stable_mosaic.version = 14 : i64} {
  func.func @body(%arg0: memref<32x48xf32, #tpu.memory_space<vmem>>, %arg1: memref<1x1xf32, #tpu.memory_space<vmem>>) attributes {dimension_semantics = [], scalar_prefetch = 0 : i64, scratch_operands = 0 : i64, tpu.core_type = #tpu.core_type<tc>} {
    %get3A = arith.constant 0 : index
    %get3A_0 = arith.constant 0 : index
    %get3A_1 = vector.load %arg0[%get3A, %get3A_0] : memref<32x48xf32, #tpu.memory_space<vmem>>, vector<32x48xf32>
    %reduce_sum3A = arith.constant dense<0.000000e+00> : vector<48xf32>
    %reduce_sum3A_2 = vector.multi_reduction <add>, %get3A_1, %reduce_sum3A [0] : vector<32x48xf32> to vector<48xf32>
    %broadcast_in_dim3A = vector.shape_cast %reduce_sum3A_2 : vector<48xf32> to vector<1x48xf32>
    %slice3A = vector.extract_strided_slice %broadcast_in_dim3A {offsets = [0, 0], sizes = [1, 16], strides = [1, 1]} : vector<1x48xf32> to vector<1x16xf32>
    %slice3A_3 = vector.extract_strided_slice %broadcast_in_dim3A {offsets = [0, 16], sizes = [1, 16], strides = [1, 1]} : vector<1x48xf32> to vector<1x16xf32>
    %slice3A_4 = vector.extract_strided_slice %broadcast_in_dim3A {offsets = [0, 32], sizes = [1, 16], strides = [1, 1]} : vector<1x48xf32> to vector<1x16xf32>
    %iota3A = tpu.iota {dimensions = array<i32: 1>} : vector<1x16xi32>
    %lt3A = arith.constant 15 : i32
    %lt3A_5 = vector.broadcast %lt3A : i32 to vector<1x16xi32>
    %lt3A_6 = arith.cmpi slt, %iota3A, %lt3A_5 : vector<1x16xi32>
    %jit3A = arith.constant 0.000000e+00 : f32
    %broadcast_in_dim3A_7 = vector.broadcast %jit3A : f32 to vector<1x16xf32>
    %select_n3A = arith.select %lt3A_6, %slice3A, %broadcast_in_dim3A_7 : vector<1x16xi1>, vector<1x16xf32>
    %jit3A_8 = arith.constant 0.000000e+00 : f32
    %broadcast_in_dim3A_9 = vector.broadcast %jit3A_8 : f32 to vector<1x16xf32>
    %select_n3A_10 = arith.select %lt3A_6, %slice3A_3, %broadcast_in_dim3A_9 : vector<1x16xi1>, vector<1x16xf32>
    %jit3A_11 = arith.constant 0.000000e+00 : f32
    %broadcast_in_dim3A_12 = vector.broadcast %jit3A_11 : f32 to vector<1x16xf32>
    %select_n3A_13 = arith.select %lt3A_6, %slice3A_4, %broadcast_in_dim3A_12 : vector<1x16xi1>, vector<1x16xf32>
    %reduce_sum3A_14 = vector.shape_cast %select_n3A_13 : vector<1x16xf32> to vector<1x1x16xf32>
    %reduce_sum3A_15 = arith.constant dense<0.000000e+00> : vector<1xf32>
    %reduce_sum3A_16 = vector.multi_reduction <add>, %reduce_sum3A_14, %reduce_sum3A_15 [1, 2] : vector<1x1x16xf32> to vector<1xf32>
    %reduce_sum3A_17 = vector.shape_cast %reduce_sum3A_16 : vector<1xf32> to vector<1x1x1xf32>
    %reduce_sum3A_18 = vector.extract %reduce_sum3A_17[0, 0, 0] : f32 from vector<1x1x1xf32>
    %div3A = arith.constant 1.000000e+06 : f32
    %div3A_19 = arith.divf %reduce_sum3A_18, %div3A : f32
    %mul3A = arith.constant 2.000000e+00 : f32
    %mul3A_20 = arith.mulf %mul3A, %div3A_19 : f32
    %add3A = arith.constant 5.000000e-01 : f32
    %add3A_21 = arith.addf %add3A, %div3A_19 : f32
    %max3A = arith.constant 1.000000e+00 : f32
    %max3A_22 = vector.broadcast %max3A : f32 to vector<1x16xf32>
    %max3A_23 = arith.maximumf %select_n3A, %max3A_22 : vector<1x16xf32>
    %div3A_24 = arith.divf %select_n3A_10, %max3A_23 : vector<1x16xf32>
    %div3A_25 = arith.divf %select_n3A_13, %max3A_23 : vector<1x16xf32>
    %log3A = math.log %max3A_23 : vector<1x16xf32>
    %gt3A = arith.constant 0.000000e+00 : f32
    %gt3A_26 = vector.broadcast %gt3A : f32 to vector<1x16xf32>
    %gt3A_27 = arith.cmpf ogt, %select_n3A, %gt3A_26 : vector<1x16xf32>
    %and3A = arith.andi %lt3A_6, %gt3A_27 : vector<1x16xi1>
    %mul3A_28 = vector.broadcast %mul3A_20 : f32 to vector<1x16xf32>
    %mul3A_29 = arith.mulf %mul3A_28, %log3A : vector<1x16xf32>
    %exp3A = math.exp %mul3A_29 : vector<1x16xf32>
    %mul3A_30 = vector.broadcast %add3A_21 : f32 to vector<1x16xf32>
    %mul3A_31 = arith.mulf %mul3A_30, %log3A : vector<1x16xf32>
    %exp3A_32 = math.exp %mul3A_31 : vector<1x16xf32>
    %add3A_33 = arith.addf %exp3A, %exp3A_32 : vector<1x16xf32>
    %mul3A_34 = arith.constant 5.000000e-01 : f32
    %mul3A_35 = vector.broadcast %mul3A_34 : f32 to vector<1x16xf32>
    %mul3A_36 = arith.mulf %mul3A_35, %add3A_33 : vector<1x16xf32>
    %jit3A_37 = arith.constant 0.000000e+00 : f32
    %broadcast_in_dim3A_38 = vector.broadcast %jit3A_37 : f32 to vector<1x16xf32>
    %select_n3A_39 = arith.select %and3A, %mul3A_36, %broadcast_in_dim3A_38 : vector<1x16xi1>, vector<1x16xf32>
    %sub3A = arith.subf %div3A_24, %div3A_25 : vector<1x16xf32>
    %abs3A = math.absf %sub3A : vector<1x16xf32>
    %mul3A_40 = arith.mulf %abs3A, %select_n3A_39 : vector<1x16xf32>
    %reduce_sum3A_41 = arith.constant dense<0.000000e+00> : vector<1xf32>
    %reduce_sum3A_42 = vector.multi_reduction <add>, %mul3A_40, %reduce_sum3A_41 [1] : vector<1x16xf32> to vector<1xf32>
    %broadcast_in_dim3A_43 = vector.shape_cast %reduce_sum3A_42 : vector<1xf32> to vector<1x1xf32>
    %reduce_sum3A_44 = arith.constant dense<0.000000e+00> : vector<1xf32>
    %reduce_sum3A_45 = vector.multi_reduction <add>, %select_n3A_39, %reduce_sum3A_44 [1] : vector<1x16xf32> to vector<1xf32>
    %broadcast_in_dim3A_46 = vector.shape_cast %reduce_sum3A_45 : vector<1xf32> to vector<1x1xf32>
    %div3A_47 = arith.divf %broadcast_in_dim3A_43, %broadcast_in_dim3A_46 : vector<1x1xf32>
    %swap3A = arith.constant 0 : index
    %swap3A_48 = arith.constant 0 : index
    %swap3A_49 = vector.load %arg1[%swap3A, %swap3A_48] : memref<1x1xf32, #tpu.memory_space<vmem>>, vector<1x1xf32>
    tpu.vector_store %arg1[%swap3A, %swap3A_48], %div3A_47 {strides = array<i32>} : memref<1x1xf32, #tpu.memory_space<vmem>>, vector<1x1xf32>,
    return
  }
}

</mosaic_0001>

<sc_bundles>
// kernel: kernel.4.cloned.1.call-start
scs
__scs_entry_jumppad:
0x0: {  	(pc) =	sbr.rel $0x88, $3  }
0x1: {  	(tag) =	ssettag $0x0;
	lr =	simm.s32 $0x1  }
0x2: {  	[smem:$0x3F9F] =	sst lr;
	_ =	strace $0xD0000000  }
0x3: {  	_ = 	snop  }
0x4: {  	_ = 	snop  }
0x5: {  	_ = 	snop  }
0x6: {  	_ = 	snop  }
0x7: {  	_ = 	snop  }
__scs_overlays_trampoline_lowered:
0x8: {  	[smem:$0x3FAE] =	sst s0  }
0x9: {  	[smem:$0x3FAF] =	sst s1  }
0xa: {  	[smem:$0x3FB0] =	sst s2  }
0xb: {  	[smem:$0x3FB1] =	sst s3  }
0xc: {  	[smem:$0x3FB2] =	sst s4  }
0xd: {  	[smem:$0x3FB3] =	sst s5  }
0xe: {  	[smem:$0x3FB4] =	sst s6  }
0xf: {  	[smem:$0x3FB5] =	sst s7  }
0x10: {  	[smem:$0x3FB6] =	sst s8  }
0x11: {  	[smem:$0x3FB7] =	sst s9;
	s0 =	simm.s32 @!p0 $0x0  }
0x12: {  	s1 =	sld [smem:$0x3F9D];
	s0 =	simm.s32 @p0 $0x1  }
0x13: {  	[smem:$0x3FB8] =	sst s0;
	s0 =	simm.s32 @!p1 $0x0  }
0x14: {  	s2 =	sld [smem:$0x3F9C];
	s0 =	simm.s32 @p1 $0x1  }
0x15: {  	[smem:$0x3FB9] =	sst s0;
	s0 =	simm.s32 @!p2 $0x0  }
0x16: {  	s3 =	sld [smem:$0x3FDB];
	s0 =	simm.s32 @p2 $0x1  }
0x17: {  	s4 =	simm.s32 $0x1BF5;
	[smem:$0x3FBB] =	sst s0  }
0x18: {  	s0 =	sld [smem:$0x3F9E];
	_ =	swait.ge [sflag:s4], $0x0  }
0x19: {  	s7 =	sld [smem:$0x3F9F]  }
0x1a: {  	s8 =	sadd.s32 $0xFFFFE003, lr  }
0x1b: {  	s9 =	sadd.s32 $0xFFFFFEF7, lr;
	s5 =	simm.s32 $0xFFFFFFFF;
	p2 =	slt.u32 s8, $0xFFFFF086  }
0x1c: {  	p1 =	slt.u32 s9, $0xF7A;
	s5 =	simm.s32 @!p2 $0x0  }
0x1d: {  	s5 =	simm.s32 @p1 $0x1;
	p0 =	seq.s32 s7, s2  }
0x1e: {  	s7 =	smul.u32 @!p0 $0xF7A, s2;
	p2 =	seq.s32 @!p0 s5, $0x0  }
0x1f: {  	s9 =	smul.u32 $0xF7A, s1;
	s8 =	simm.s32 @!p0 $0x1BF5;
	p2 =	por !p2, p0  }
0x20: {  	[sflag:s8] =	ssyncset.s32 @!p0 $0xFFFFF086;
	s6 =	sadd.s32 @!p0 s3, s7;
	s7 =	simm.s32 @!p0 $0x108  }
0x21: {  	s3 =	sadd.s32 s3, s9;
	s6 =	sadd.s32 @!p0 $0x88, s6;
	s7 =	simm.s32 @p2 $0x1082  }
0x22: {  	[simem:s7], [sflag:s8] =	dma.local @!p0 [hbm:s6], $0xF7A  }
0x23: {  	s9 =	sor.u32 $0xD0000000, s2;
	s6 =	simm.s32 $0x108;
	_ =	swait.ge @!p0 [sflag:s8], $0x0  }
0x24: {  	s3 =	sadd.s32 $0x88, s3;
	s6 =	simm.s32 @!p1 $0x1082;
	[sflag:s4] =	ssyncset.s32 $0xFFFFF086  }
0x25: {  	[simem:s6], [sflag:s4] =	dma.local [hbm:s3], $0xF7A  }
0x26: {  	[smem:$0x3F9F] =	sst s1;
	(tag) =	ssettag s2;
	_ =	strace s9  }
0x27: {  	s1 =	sld [smem:$0x3FAF]  }
0x28: {  	s2 =	sld [smem:$0x3FB0]  }
0x29: {  	s4 =	sld [smem:$0x3FB2]  }
0x2a: {  	p0 =	seq.s32 s5, $0x0;
	s5 =	sld [smem:$0x3FB3]  }
0x2b: {  	s6 =	sld [smem:$0x3FB4]  }
0x2c: {  	s7 =	sld [smem:$0x3FB5]  }
0x2d: {  	s3 =	simm.s32 $0x108;
	s8 =	sld [smem:$0x3FB6]  }
0x2e: {  	s3 =	simm.s32 @!p0 $0x1082;
	s9 =	sld [smem:$0x3FB7]  }
0x2f: {  	lr =	sadd.s32 s0, s3;
	s0 =	sld [smem:$0x3FAE]  }
0x30: {  	s3 =	sld [smem:$0x3FB1]  }
0x31: {  	[smem:$0x3FBA] =	sst s10  }
0x32: {  	s10 =	sld [smem:$0x3FB8];
	_ =	sdelay $0x3  }
0x33: {  	p0 =	seq.s32 s10, $0x1;
	s10 =	sld [smem:$0x3FBA];
	_ =	sdelay $0x3  }
0x34: {  	[smem:$0x3FBA] =	sst s10  }
0x35: {  	s10 =	sld [smem:$0x3FB9];
	_ =	sdelay $0x3  }
0x36: {  	p1 =	seq.s32 s10, $0x1;
	s10 =	sld [smem:$0x3FBA];
	_ =	sdelay $0x3  }
0x37: {  	[smem:$0x3FBA] =	sst s10  }
0x38: {  	s10 =	sld [smem:$0x3FBB]  }
0x39: {  	_ = 	snop;
	(pc) =	sbr.ind lr, $3  }
0x3a: {  	_ = 	snop  }
0x3b: {  	_ = 	snop  }
0x3c: {  	p2 =	seq.s32 s10, $0x1;
	s10 =	sld [smem:$0x3FBA]  }
0x3d: {  	_ =	shalt  }
0x3e: {  	_ =	shalt  }
0x3f: {  	_ =	shalt  }
0x40: {  	_ =	shalt  }
0x41: {  	_ =	shalt  }
0x42: {  	_ =	shalt  }
0x43: {  	_ =	shalt  }
0x44: {  	_ =	shalt  }
0x45: {  	_ =	shalt  }
0x46: {  	_ =	shalt  }
0x47: {  	_ =	shalt  }
0x48: {  	_ =	shalt  }
0x49: {  	_ =	shalt  }
0x4a: {  	_ =	shalt  }
0x4b: {  	_ =	shalt  }
0x4c: {  	_ =	shalt  }
0x4d: {  	_ =	shalt  }
0x4e: {  	_ =	shalt  }
0x4f: {  	_ =	shalt  }
0x50: {  	_ =	shalt  }
0x51: {  	_ =	shalt  }
0x52: {  	_ =	shalt  }
0x53: {  	_ =	shalt  }
0x54: {  	_ =	shalt  }
0x55: {  	_ =	shalt  }
0x56: {  	_ =	shalt  }
0x57: {  	_ =	shalt  }
0x58: {  	_ =	shalt  }
0x59: {  	_ =	shalt  }
0x5a: {  	_ =	shalt  }
0x5b: {  	_ =	shalt  }
0x5c: {  	_ =	shalt  }
0x5d: {  	_ =	shalt  }
0x5e: {  	_ =	shalt  }
0x5f: {  	_ =	shalt  }
0x60: {  	_ =	shalt  }
0x61: {  	_ =	shalt  }
0x62: {  	_ =	shalt  }
0x63: {  	_ =	shalt  }
0x64: {  	_ =	shalt  }
0x65: {  	_ =	shalt  }
0x66: {  	_ =	shalt  }
0x67: {  	_ =	shalt  }
0x68: {  	_ =	shalt  }
0x69: {  	_ =	shalt  }
0x6a: {  	_ =	shalt  }
0x6b: {  	_ =	shalt  }
0x6c: {  	_ =	shalt  }
0x6d: {  	_ =	shalt  }
0x6e: {  	_ =	shalt  }
0x6f: {  	_ =	shalt  }
0x70: {  	_ =	shalt  }
0x71: {  	_ =	shalt  }
0x72: {  	_ =	shalt  }
0x73: {  	_ =	shalt  }
0x74: {  	_ =	shalt  }
0x75: {  	_ =	shalt  }
0x76: {  	_ =	shalt  }
0x77: {  	_ =	shalt  }
0x78: {  	_ =	shalt  }
0x79: {  	_ =	shalt  }
0x7a: {  	_ =	shalt  }
0x7b: {  	_ =	shalt  }
0x7c: {  	_ =	shalt  }
0x7d: {  	_ =	shalt  }
0x7e: {  	_ =	shalt  }
0x7f: {  	_ =	shalt  }
0x80: {  	_ =	shalt  }
0x81: {  	_ =	shalt  }
0x82: {  	_ =	shalt  }
0x83: {  	_ =	shalt  }
0x84: {  	_ =	shalt  }
0x85: {  	_ =	shalt  }
0x86: {  	_ =	shalt  }
0x87: {  	_ =	shalt  }
.Lfunc_end0:
.L_simem_size_0:
called_computation_lowered:
.L_overlay_start_0:
0x88: {  	s2 =	sld [smem:$0x3FD9]  }
0x89: {  	s3 =	sld [smem:$0x3FFE];
	_ =	sdelay $0x1  }
0x8a: {  	s1 =	srdreg.scid  }
0x8b: {  	s0 =	sand.u32 $0x1, s1  }
0x8c: {  	s17 =	sshll.u32 s0, $0xA;
	s2 =	sadd.s32 s3, s2  }
0x8d: {  	s2 =	sadd.s32 s2, s17  }
0x8e: {  	[smem:$0x3FC6] =	sst s2  }
0x8f: {  	_ = 	snop  }
0x90: {  	s2 =	sld [smem:$0x3FC9]  }
0x91: {  	s18 =	sld [smem:$0x3FC8]  }
0x92: {  	s4 =	sld [smem:$0x3FD0];
	(tm) =	ssettm $0x1  }
0x93: {  	s5 =	sld [smem:$0x3FFB];
	_ =	sdelay $0x3  }
0x94: {  	_ =	strace s5  }
0x95: {  	s5 =	sld [smem:$0x3FFC];
	_ =	sdelay $0x3  }
0x96: {  	_ =	strace s5  }
0x97: {  	s5 =	sld [smem:$0x3FFD];
	_ =	sdelay $0x3  }
0x98: {  	_ =	strace s5  }
0x99: {  	_ =	strace $0x8FFFFFFF  }
0x9a: {  	s19 =	sld [smem:$0x3FDB];
	_ =	sdelay $0x1  }
0x9b: {  	s6 =	simm.s32 $_scs_section_size  }
0x9c: {  	s7 =	simm.s32 $_size__tile_overlayer_lowered;
	s8 =	simm.s32 $_tile_overlayer_lowered  }
0x9d: {  	s22 =	simm.s32 $0x1BFF;
	s21 =	sshll.u32 s8, $0x1;
	s5 =	sadd.s32 s6, s19  }
0x9e: {  	s9 =	simm.s32 $0x0;
	s20 =	sshll.u32 s7, $0x1;
	s7 =	sadd.s32 s21, s5  }
0x9f: {  	[timem:s9], [sflag:s22] =	dma.local [hbm:s7], s20  }
0xa0: {  	_ =	swait.ge [sflag:s22], s20  }
0xa1: {  	s6 =	ssub.s32 $0x0, s20;
	[sflag:s22] =	ssyncset.done $0x0  }
0xa2: {  	[sflag:s22] =	ssyncadd.s32 s6;
	_ =	sdelay $0x1  }
0xa3: {  	s23 =	simm.s32 $0x1B8B  }
0xa4: {  	_ =	swait.ge [sflag:s23], $0x1  }
0xa5: {  	[sflag:s23] =	ssyncset.done $0x0  }
0xa6: {  	s25 =	simm.s32 $0x1B8E;
	s24 =	sld [smem:$0x3FFE];
	[sflag:s23] =	ssyncadd.s32 $0xFFFFFFFF  }
0xa7: {  	s26 =	simm.s32 $execute0_lowered;
	[smem:$0x3FD2] =	sst s25  }
0xa8: {  	s7 =	sshll.u32 s26, $0x1;
	_ =	strace $0x80000046;
	[dreg:$0x1] =	wrdreg $0xFFFFFFFF  }
0xa9: {  	s28 =	simm.s32 $_size_execute0_lowered;
	s5 =	sadd.s32 s5, s7;
	[dreg:$0x0] =	wrdreg $0x0  }
0xaa: {  	s7 =	sshll.u32 s28, $0x1;
	[dreg:$0x2] =	wrdreg s5  }
0xab: {  	[dreg:$0x3] =	wrdreg s7  }
0xac: {  	[dreg:$0x4] =	wrdreg $0xC0  }
0xad: {  	_ =	task [dreg:s9], $0x5FFFF  }
0xae: {  	[dreg:$0x1] =	wrdreg $0xFFFFFFFF  }
0xaf: {  	[dreg:$0x0] =	wrdreg $0x60  }
0xb0: {  	[dreg:$0x2] =	wrdreg s2  }
0xb1: {  	[dreg:$0x3] =	wrdreg s18  }
0xb2: {  	[dreg:$0x4] =	wrdreg s4  }
0xb3: {  	[dreg:$0x5] =	wrdreg s24  }
0xb4: {  	[dreg:$0x6] =	wrdreg $0x9  }
0xb5: {  	_ =	task.clear_ibuf [dreg:s9], $0x7FFFF;
	_ =	strace $0x90000046  }
0xb6: {  	s29 =	simm.s32 $0x9;
	_ =	strace $0x80000048  }
0xb7: {  	_ =	swait.ge [sflag:s29], $0x1  }
0xb8: {  	[sflag:s29] =	ssyncadd.s32 $0xFFFFFFFF  }
0xb9: {  	_ =	strace $0x90000048  }
0xba: {  	_ =	sfence  }
0xbb: {  	s30 =	sld [smem:$0x0];
	_ =	sdelay $0x2  }
0xbc: {  	s31 =	sshll.u32 s1, $0xD;
	s1 =	sshrl.u32 s1, $0x2  }
0xbd: {  	s3 =	sand.u32 $0x4000, s31;
	s1 =	sadd.s32 s1, s30  }
0xbe: {  	s0 =	sor.u32 s3, s0;
	s1 =	sshll.u32 s1, $0x11  }
0xbf: {  	s0 =	sor.u32 s1, s0  }
0xc0: {  	s0 =	sadd.s32 $0x8F2B, s0  }
0xc1: {  	[sflag:s0] =	ssyncadd.remote.s32 $0x1  }
0xc2: {  	_ =	sfence.sel $0xFFFF  }
0xc3: {  	[dreg:$0x0] =	wrdreg $0xFFFFFFFF;
	(pc) =	sbr.abs _section_cstart, $3  }
0xc4: {  	[dreg:$0x1] =	wrdreg $0xFFFFFFFF  }
0xc5: {  	_ =	task.clear_ibuf [dreg:s9], $0x2FFFF;
	_ =	strace $0x9FFFFFFF  }
0xc6: {  	(tm) =	ssettm $0x7FFFFFFF  }
0xc7: {  	_ =	shalt  }
tec
execute0_lowered:
.L_overlay_start_1:
0x0: {  	(tag) =	ssettag $0x1  }
0x1: {  	s6 =	rddreg [dreg:$0x0]  }
0x2: {  	s7 =	rddreg [dreg:$0x1]  }
0x3: {  	s0 =	srdreg.scid;
	s2 =	rddreg [dreg:$0x2]  }
0x4: {  	s5 =	rddreg [dreg:$0x3];
	s1 =	stileid.u32  }
0x5: {  	s3 =	simm.s32 $0x0;
	s13 =	simm.s32 $0x1;
	s14 =	simm.s32 $0x2  }
0x6: {  	s15 =	simm.s32 $0xF580;
	s16 =	simm.s32 $0xF680;
	s17 =	simm.s32 $0xF780  }
0x7: {  	s18 =	simm.s32 $0x6;
	s19 =	simm.s32 $0x3;
	s20 =	simm.s32 $0x4  }
0x8: {  	s21 =	simm.s32 $0x0;
	s4 =	sand.u32 $0x1, s0;
	s0 =	rddreg [dreg:$0x4]  }
0x9: {  	[smem:$0x7FF] =	sst s3;
	s30 =	sshll.u32 s1, $0x4;
	s8 =	sshll.u32 s4, $0x4  }
0xa: {  	_ =	strace $0x80000047;
	s4 =	ssub.s32 $0x2, s4;
	s10 =	sor.u32 s1, s8  }
0xb: {  	s8 =	sand.u32 $0x70, s30;
	s31 =	sshrl.u32 s4, $0x1;
	s9 =	smul.u32 $0x7A20, s10  }
0xc: {  	s8 =	sadd.s32 s8, s5;
	s11 =	ssub.s32 s4, s31;
	s12 =	sshll.u32 s10, $0x4  }
.Ltmp0:
0xd: {  	p0 =	seq.s32 s10, $0x1F;
	s12 =	sand.u32 $0x180, s12;
	(pc) =	sbr.rel .LBB2_1-.Ltmp0, $4  }
0xe: {  	s10 =	simm.s32 $0xF500;
	s9 =	sshrl.u32 s9, $0x3;
	s8 =	sadd.s32 s12, s8  }
0xf: {  	s4 =	sadd.s32 s6, s9;
	s5 =	sadd.s32 s7, s9;
	s9 =	sadd.s32 $0xF0C, s9  }
0x10: {  	v2 =	vlaneseq.u32;
	s12 =	simm.s32 $0x5;
	s8 =	sadd.s32 $0x600, s8;
	s6 =	sadd.s32 s6, s9  }
0x11: {  	v0 =	vimm.s32 $0x0;
	v2 =	vmul.u32 $0x10, v2;
	s7 =	sadd.s32 s7, s9;
	s9 =	smax.u32 s11, $0x1;
	s11 =	simm.s32 $0x7A80  }
.LBB2_5:
0x12: {  	v1 =	vld [tilespmem:$0xF580]  }
0x13: {  	v3 =	vld [tilespmem:$0xF680]  }
0x14: {  	v4 =	vld [tilespmem:$0xF590]  }
0x15: {  	v5 =	vld [tilespmem:$0xF690]  }
0x16: {  	v6 =	vld [tilespmem:$0xF5A0]  }
0x17: {  	v7 =	vld [tilespmem:$0xF6A0]  }
0x18: {  	v8 =	vld [tilespmem:$0xF5B0]  }
0x19: {  	v9 =	vld [tilespmem:$0xF6B0]  }
0x1a: {  	v10 =	vld [tilespmem:$0xF5C0]  }
0x1b: {  	v46 =	vld [tilespmem:$0xF6C0]  }
0x1c: {  	v11 =	vld [tilespmem:$0xF5D0];
	v3 =	vadd.f32 v5, v3  }
0x1d: {  	v47 =	vld [tilespmem:$0xF6D0]  }
0x1e: {  	v12 =	vld [tilespmem:$0xF5E0];
	v3 =	vadd.f32 v7, v3  }
0x1f: {  	v48 =	vld [tilespmem:$0xF6E0]  }
0x20: {  	v13 =	vld [tilespmem:$0xF5F0];
	v3 =	vadd.f32 v9, v3  }
0x21: {  	v49 =	vld [tilespmem:$0xF6F0]  }
0x22: {  	v14 =	vld [tilespmem:$0xF600];
	v3 =	vadd.f32 v46, v3  }
0x23: {  	v50 =	vld [tilespmem:$0xF700]  }
0x24: {  	v15 =	vld [tilespmem:$0xF610];
	v3 =	vadd.f32 v47, v3  }
0x25: {  	v51 =	vld [tilespmem:$0xF710]  }
0x26: {  	v52 =	vld [tilespmem:$0xF620];
	v1 =	vadd.s32 v1, v4;
	v3 =	vadd.f32 v48, v3  }
0x27: {  	v53 =	vld [tilespmem:$0xF720];
	v1 =	vadd.s32 v6, v1  }
0x28: {  	v54 =	vld [tilespmem:$0xF630];
	v1 =	vadd.s32 v8, v1;
	v3 =	vadd.f32 v49, v3  }
0x29: {  	v55 =	vld [tilespmem:$0xF730];
	v1 =	vadd.s32 v10, v1  }
0x2a: {  	v56 =	vld [tilespmem:$0xF640];
	v1 =	vadd.s32 v11, v1;
	v3 =	vadd.f32 v50, v3  }
0x2b: {  	v57 =	vld [tilespmem:$0xF740];
	v1 =	vadd.s32 v12, v1  }
0x2c: {  	v58 =	vld [tilespmem:$0xF650];
	v1 =	vadd.s32 v13, v1;
	v3 =	vadd.f32 v51, v3  }
0x2d: {  	v59 =	vld [tilespmem:$0xF750];
	v1 =	vadd.s32 v14, v1  }
0x2e: {  	v60 =	vld [tilespmem:$0xF660];
	v1 =	vadd.s32 v15, v1;
	v3 =	vadd.f32 v53, v3  }
0x2f: {  	v61 =	vld [tilespmem:$0xF670];
	v1 =	vadd.s32 v52, v1  }
0x30: {  	v1 =	vadd.s32 v54, v1;
	v3 =	vadd.f32 v55, v3  }
0x31: {  	v62 =	vld [tilespmem:$0xF760];
	v1 =	vadd.s32 v56, v1  }
0x32: {  	v1 =	vadd.s32 v58, v1;
	v3 =	vadd.f32 v57, v3  }
0x33: {  	v63 =	vld [tilespmem:$0xF770];
	v1 =	vadd.s32 v60, v1  }
0x34: {  	v1 =	vadd.s32 v61, v1;
	v3 =	vadd.f32 v59, v3  }
0x35: {  	v4 =	vshrl.u32 v1, $0x10  }
0x36: {  	v1 =	vand.u32 $0xFFFF, v1;
	v4 =	vcvt.s32.f32 v4;
	v3 =	vadd.f32 v62, v3  }
0x37: {  	v1 =	vcvt.s32.f32 v1  }
0x38: {  	s21 =	sadd.s32 $0x1, s21;
	[tilespmem:$0xF780] =	vst v4;
	v3 =	vadd.f32 v63, v3  }
0x39: {  	p1 =	sne.s32 s21, s9;
	[tilespmem:$0xF7A0] =	vst v1  }
.Ltmp1:
0x3a: {  	[tilespmem:$0xF790] =	vst v3;
	(pc) =	sbr.rel @!p1 .LBB2_6-.Ltmp1, $4  }
0x3b: {  	[hbm4b:s8+s3] =	stream.linear.scatter [tilespmem:s17], [sflag:$0x6], $0x80, $0x38;
	[tilespmem:$0xF800] =	vst v63  }
0x3c: {  	_ =	swait.ge [sflag:s18], $0x80  }
0x3d: {  	[sflag:s18] =	ssyncset.done $0x0  }
0x3e: {  	[sflag:s18] =	ssyncadd.s32 $0xFFFFFF80  }
.LBB2_1:
0x3f: {  	[tilespmem:s10], [sflag:$0x5] =	stream.linear.gather [hbm4b:s2+s3], $0x80, $0x38;
	[tilespmem:$0xF800] =	vst v63  }
0x40: {  	_ = 	snop  }
0x41: {  	[tilespmem:s3], [sflag:$0x1] =	stream.linear.gather [hbm4b:s4+s3], $0x7860, $0x38;
	[tilespmem:$0xF800] =	vst v63  }
0x42: {  	_ = 	snop  }
0x43: {  	[tilespmem:s11], [sflag:$0x2] =	stream.linear.gather [hbm4b:s5+s3], $0x7860, $0x38;
	[tilespmem:$0xF800] =	vst v63  }
0x44: {  	s22 =	simm.s32 @!p0 $0x0;
	s23 =	simm.s32 @!p0 $0x7860  }
0x45: {  	[tilespmem:s23], [sflag:$0x3] =	stream.linear.gather @!p0 [hbm4b:s6+s22], $0x1C0, $0x38;
	[tilespmem:$0xF800] =	vst v63  }
0x46: {  	s23 =	simm.s32 @!p0 $0xF2E0  }
0x47: {  	[tilespmem:s23], [sflag:$0x4] =	stream.linear.gather @!p0 [hbm4b:s7+s22], $0x1C0, $0x38;
	[tilespmem:$0xF800] =	vst v63  }
0x48: {  	v1 =	vimm.f32 $0.0e+00;
	[tilespmem:$0xF580] =	vst v0  }
0x49: {  	[tilespmem:$0xF680] =	vst v1  }
0x4a: {  	[tilespmem:$0xF590] =	vst v0  }
0x4b: {  	[tilespmem:$0xF690] =	vst v1  }
0x4c: {  	[tilespmem:$0xF5A0] =	vst v0  }
0x4d: {  	[tilespmem:$0xF6A0] =	vst v1  }
0x4e: {  	[tilespmem:$0xF5B0] =	vst v0  }
0x4f: {  	[tilespmem:$0xF6B0] =	vst v1  }
0x50: {  	[tilespmem:$0xF5C0] =	vst v0  }
0x51: {  	[tilespmem:$0xF6C0] =	vst v1  }
0x52: {  	[tilespmem:$0xF5D0] =	vst v0  }
0x53: {  	[tilespmem:$0xF6D0] =	vst v1  }
0x54: {  	[tilespmem:$0xF5E0] =	vst v0  }
0x55: {  	[tilespmem:$0xF6E0] =	vst v1  }
0x56: {  	[tilespmem:$0xF5F0] =	vst v0  }
0x57: {  	[tilespmem:$0xF6F0] =	vst v1  }
0x58: {  	[tilespmem:$0xF600] =	vst v0  }
0x59: {  	[tilespmem:$0xF700] =	vst v1  }
0x5a: {  	[tilespmem:$0xF610] =	vst v0  }
0x5b: {  	[tilespmem:$0xF710] =	vst v1  }
0x5c: {  	[tilespmem:$0xF620] =	vst v0  }
0x5d: {  	[tilespmem:$0xF720] =	vst v1  }
0x5e: {  	[tilespmem:$0xF630] =	vst v0  }
0x5f: {  	[tilespmem:$0xF730] =	vst v1  }
0x60: {  	[tilespmem:$0xF640] =	vst v0  }
0x61: {  	[tilespmem:$0xF740] =	vst v1  }
0x62: {  	[tilespmem:$0xF650] =	vst v0  }
0x63: {  	[tilespmem:$0xF750] =	vst v1  }
0x64: {  	[tilespmem:$0xF660] =	vst v0  }
0x65: {  	[tilespmem:$0xF760] =	vst v1  }
0x66: {  	[tilespmem:$0xF670] =	vst v0  }
0x67: {  	[tilespmem:$0xF770] =	vst v1  }
0x68: {  	_ =	swait.ge [sflag:s12], $0x80  }
0x69: {  	[sflag:s12] =	ssyncset.done $0x0  }
0x6a: {  	[sflag:s12] =	ssyncadd.s32 $0xFFFFFF80  }
0x6b: {  	_ =	swait.ge [sflag:s13], $0x7860  }
0x6c: {  	[sflag:s13] =	ssyncset.done $0x0  }
0x6d: {  	[sflag:s13] =	ssyncadd.s32 $0xFFFF87A0  }
0x6e: {  	_ =	swait.ge [sflag:s14], $0x7860  }
0x6f: {  	[sflag:s14] =	ssyncset.done $0x0  }
0x70: {  	s22 =	simm.s32 $0x90;
	[sflag:s14] =	ssyncadd.s32 $0xFFFF87A0  }
0x71: {  	v33 =	vld [tilespmem:s22+$0xFFFFFF70]  }
0x72: {  	v3 =	vld [tilespmem:s22+$0x40]  }
0x73: {  	v32 =	vld [tilespmem:s22+$0xFFFFFF80]  }
0x74: {  	v4 =	vld [tilespmem:s22+$0x30]  }
0x75: {  	v31 =	vld [tilespmem:s22+$0xFFFFFF90]  }
0x76: {  	v13 =	vld [tilespmem:s22+$0xFFFFFFA0]  }
0x77: {  	v12 =	vld [tilespmem:s22+$0xFFFFFFC0]  }
0x78: {  	v15 =	vld [tilespmem:s22+$0xFFFFFFD0];
	_ =	sdelay $0x1  }
0x79: {  	v6 =	vmul.f32 $1.500000000e+01, v33;
	v7 =	vmul.f32 $1.500000000e+01, v3  }
0x7a: {  	v8 =	vmul.f32 $1.500000000e+01, v32;
	v14 =	vmul.f32 $1.500000000e+01, v4  }
0x7b: {  	v18 =	vmul.f32 $1.500000000e+01, v31;
	v17 =	vmul.f32 $1.500000000e+01, v13  }
0x7c: {  	v10 =	vld [tilespmem:s22+$0xFFFFFFB0];
	v21 =	vmul.f32 $1.500000000e+01, v15;
	v23 =	vmul.f32 $1.500000000e+01, v12  }
0x7d: {  	v6 =	vtrunc.f32 v6;
	v11 =	vtrunc.f32 v7  }
0x7e: {  	v8 =	vtrunc.f32 v8;
	v7 =	vld [tilespmem:s22+$0x0];
	v14 =	vtrunc.f32 v14  }
0x7f: {  	v25 =	vtrunc.f32 v17;
	v9 =	vcvt.f32.s32 v6  }
0x80: {  	v21 =	vtrunc.f32 v21;
	v16 =	vcvt.f32.s32 v8  }
0x81: {  	s23 =	simm.s32 $0x7B10;
	v5 =	vld [tilespmem:s22+$0x20];
	v24 =	vcvt.f32.s32 v11;
	v11 =	vmul.f32 $1.500000000e+01, v10;
	vm0 =	vlt.s32 v9, $0xE  }
0x82: {  	v49 =	vld [tilespmem:s23+$0xFFFFFF70];
	v14 =	vcvt.f32.s32 v14;
	v25 =	vcvt.f32.s32 v25;
	v20 =	vnsel vm0, $0xE, v9  }
0x83: {  	v17 =	vld [tilespmem:s22+$0xFFFFFFE0];
	v11 =	vtrunc.f32 v11;
	v22 =	vmul.f32 $1.500000000e+01, v7  }
0x84: {  	s24 =	sand.u32 $0xFFE0, s3;
	v6 =	vld [tilespmem:s22+$0x10];
	vm2 =	vlt.s32 v14, $0xE;
	vm1 =	vlt.s32 v24, $0xE;
	vm0 =	vlt.s32 v16, $0xE  }
0x85: {  	v8 =	vld [tilespmem:s24+$0x80];
	v26 =	vnsel vm0, $0xE, v16;
	v28 =	vtrunc.f32 v22;
	v22 =	vcvt.f32.s32 v21  }
0x86: {  	v9 =	vmul.f32 $1.500000000e+01, v5;
	v11 =	vcvt.f32.s32 v11;
	v40 =	vnsel vm1, $0xE, v24;
	v24 =	vld [tilespmem:s23+$0x20]  }
0x87: {  	v37 =	vnsel vm2, $0xE, v14;
	vm1 =	vlt.s32 v25, $0xE;
	v16 =	vld.idx.msk [tilespmem:v20+s10+$0x0], $0xffff;
	vm2 =	vlt.s32 v22, $0xE  }
0x88: {  	v45 =	vnsel vm1, $0xE, v25;
	v25 =	vld [tilespmem:s23+$0x10];
	v9 =	vtrunc.f32 v9;
	v55 =	vnsel vm2, $0xE, v22  }
0x89: {  	v19 =	vmul.f32 $1.500000000e+01, v6;
	v35 =	vcvt.f32.s32 v9;
	v9 =	vld [tilespmem:s23+$0x80]  }
0x8a: {  	v49 =	vtrunc.f32 v49;
	v36 =	vtrunc.f32 v23;
	vm0 =	vlt.s32 v11, $0xE;
	v29 =	vld.idx.msk [tilespmem:v26+s10+$0x0], $0xffff  }
0x8b: {  	v27 =	vmul.f32 $1.500000000e+01, v8;
	v30 =	vnsel vm0, $0xE, v11;
	v11 =	vld [tilespmem:s24+$0x7B80];
	v34 =	vtrunc.f32 v19  }
0x8c: {  	v18 =	vtrunc.f32 v18;
	v21 =	vld [tilespmem:s23+$0x50];
	v14 =	vcvt.f32.s32 v34;
	vm3 =	vlt.f32 v33, v16  }
0x8d: {  	v56 =	vmul.f32 $1.500000000e+01, v17;
	v23 =	vtrunc.f32 v27;
	v16 =	vsel vm3, $0xFFFFFFFF, v0;
	v39 =	vld.idx.msk [tilespmem:v55+s10+$0x0], $0xffff  }
0x8e: {  	v28 =	vcvt.f32.s32 v28;
	vm3 =	vlt.s32 v14, $0xE;
	v20 =	vadd.s32 v16, v20;
	v16 =	vld [tilespmem:s22+$0x50]  }
0x8f: {  	vm0 =	vlt.s32 v35, $0xE;
	vm2 =	vlt.f32 v32, v29;
	v38 =	vnsel vm3, $0xE, v14;
	v14 =	vld [tilespmem:s24+$0x100]  }
0x90: {  	v27 =	vcvt.f32.s32 v23;
	v29 =	vsel vm2, $0xFFFFFFFF, v0;
	v41 =	vadd.s32 v2, v20;
	v20 =	vld.idx.msk [tilespmem:v30+s10+$0x0], $0xffff  }
0x91: {  	vm2 =	vlt.s32 v28, $0xE;
	v26 =	vadd.s32 v29, v26;
	v29 =	vcvt.f32.s32 v18;
	v18 =	vld [tilespmem:s22+$0x60]  }
0x92: {  	v19 =	vld [tilespmem:s23+$0x60];
	vm3 =	vlt.s32 v27, $0xE;
	v44 =	vadd.s32 v2, v26;
	v26 =	vcvt.f32.s32 v36  }
0x93: {  	v23 =	vld [tilespmem:s23+$0x30];
	v46 =	vnsel vm3, $0xE, v27;
	v47 =	vnsel vm2, $0xE, v28;
	vm4 =	vlt.s32 v29, $0xE  }
0x94: {  	v52 =	vld.idx.msk [tilespmem:v40+s10+$0x0], $0xffff;
	v43 =	vnsel vm4, $0xE, v29;
	vm15 =	vlt.s32 v26, $0xE;
	vm1 =	vlt.f32 v15, v39  }
0x95: {  	v22 =	vld [tilespmem:s23+$0x40];
	v42 =	vmul.f32 $1.500000000e+01, v16;
	v57 =	vmul.f32 $1.500000000e+01, v14;
	v59 =	vsel vm1, $0xFFFFFFFF, v0  }
0x96: {  	v50 =	vld.idx.msk [tilespmem:v38+s10+$0x0], $0xffff;
	vm5 =	vlt.f32 v10, v20;
	v48 =	vmul.f32 $1.500000000e+01, v18;
	v34 =	vadd.s32 v59, v55  }
0x97: {  	v20 =	vld [tilespmem:s22+$0x80];
	v59 =	vcvt.f32.s32 v49;
	v29 =	vsel vm5, $0xFFFFFFFF, v0;
	v58 =	vtrunc.f32 v42  }
0x98: {  	v55 =	vld.idx.msk [tilespmem:v37+s10+$0x0], $0xffff;
	v36 =	vtrunc.f32 v57;
	v29 =	vadd.s32 v29, v30;
	v30 =	vtrunc.f32 v56  }
0x99: {  	v27 =	vld [tilespmem:s23+$0x0];
	v57 =	vnsel vm0, $0xE, v35;
	v60 =	vcvt.f32.s32 v58;
	v36 =	vcvt.f32.s32 v36  }
0x9a: {  	v28 =	vld [tilespmem:s24+$0x7B00];
	v61 =	vtrunc.f32 v48;
	v48 =	vnsel vm15, $0xE, v26;
	v30 =	vcvt.f32.s32 v30  }
0x9b: {  	v53 =	vld.idx.msk [tilespmem:v46+s10+$0x0], $0xffff;
	v39 =	vcvt.f32.s32 v61;
	vm0 =	vlt.s32 v36, $0xE;
	vm2 =	vlt.f32 v6, v50  }
0x9c: {  	v62 =	vld.idx.msk [tilespmem:v43+s10+$0x0], $0xffff;
	vm1 =	vlt.s32 v30, $0xE;
	v51 =	vmul.f32 $1.500000000e+01, v20;
	v58 =	vsel vm2, $0xFFFFFFFF, v0  }
0x9d: {  	v49 =	vld [tilespmem:s23+$0xFFFFFF80];
	vm2 =	vlt.f32 v4, v55;
	v42 =	vnsel vm1, $0xE, v30;
	v30 =	vadd.s32 v2, v34  }
0x9e: {  	v56 =	vld.idx.msk [tilespmem:v47+s10+$0x0], $0xffff;
	vm1 =	vlt.s32 v60, $0xE;
	v58 =	vadd.s32 v58, v38;
	v26 =	vtrunc.f32 v51  }
0x9f: {  	v38 =	vld.idx.msk [tilespmem:v45+s10+$0x0], $0xffff;
	v34 =	vnsel vm1, $0xE, v60;
	vm1 =	vlt.s32 v39, $0xE;
	v51 =	vadd.s32 $0x10000, v59  }
0xa0: {  	v50 =	vld.idx.msk [tilespmem:v48+s10+$0x0], $0xffff;
	v54 =	vcvt.f32.s32 v26;
	v26 =	vnsel vm0, $0xE, v36;
	vm0 =	vlt.f32 v3, v52  }
0xa1: {  	v39 =	vnsel vm1, $0xE, v39;
	v36 =	vld [tilespmem:s23+$0xFFFFFFE0];
	v52 =	vsel vm0, $0xFFFFFFFF, v0;
	vm0 =	vlt.f32 v31, v62  }
0xa2: {  	v59 =	vtrunc.f32 v49;
	vm1 =	vlt.s32 v54, $0xE;
	v61 =	vsel vm0, $0xFFFFFFFF, v0;
	v63 =	vld.idx.msk [tilespmem:v42+s10+$0x0], $0xffff  }
0xa3: {  	v54 =	vnsel vm1, $0xE, v54;
	vm1 =	vlt.f32 v8, v53;
	v53 =	vadd.s32 v61, v43;
	v43 =	vld.idx.msk [tilespmem:v57+s10+$0x0], $0xffff  }
0xa4: {  	v29 =	vadd.s32 v2, v29;
	v59 =	vcvt.f32.s32 v59;
	v62 =	vsel vm2, $0xFFFFFFFF, v0;
	v55 =	vld.idx.msk [tilespmem:v34+s10+$0x0], $0xffff  }
0xa5: {  	v52 =	vadd.s32 v52, v40;
	v60 =	vsel vm1, $0xFFFFFFFF, v0;
	vm2 =	vlt.f32 v12, v50;
	v50 =	vld [tilespmem:s23+$0xFFFFFF90]  }
0xa6: {  	vm1 =	vlt.f32 v7, v56;
	v56 =	vadd.s32 v62, v37;
	v37 =	vadd.s32 v2, v58;
	v40 =	vld.idx.msk [tilespmem:v39+s10+$0x0], $0xffff  }
0xa7: {  	v46 =	vadd.s32 v60, v46;
	v49 =	vld.idx.msk [tilespmem:v26+s10+$0x0], $0xffff;
	v60 =	vsel vm1, $0xFFFFFFFF, v0;
	v61 =	vsel vm2, $0xFFFFFFFF, v0  }
0xa8: {  	v48 =	vadd.s32 v61, v48;
	vm0 =	vlt.f32 v17, v63;
	vm2 =	vlt.f32 v5, v43;
	v43 =	vld [tilespmem:s23+$0xFFFFFFD0]  }
0xa9: {  	v63 =	vsel vm0, $0xFFFFFFFF, v0;
	vm0 =	vlt.f32 v13, v38;
	vm1 =	vlt.f32 v16, v55;
	v55 =	vld [tilespmem:s23+$0xFFFFFFB0]  }
0xaa: {  	v50 =	vtrunc.f32 v50;
	v35 =	vadd.s32 v63, v42;
	v42 =	vadd.s32 v60, v47;
	v47 =	vld [tilespmem:s23+$0xFFFFFFA0]  }
0xab: {  	v38 =	vsel vm0, $0xFFFFFFFF, v0;
	vm0 =	vlt.f32 v18, v40;
	v60 =	vld.idx.msk [tilespmem:v54+s10+$0x0], $0xffff;
	v63 =	vadd.s32 v2, v53  }
0xac: {  	v45 =	vadd.s32 v38, v45;
	v62 =	vsel vm0, $0xFFFFFFFF, v0;
	vm0 =	vlt.f32 v14, v49;
	v49 =	vld [tilespmem:s23+$0xFFFFFFC0]  }
0xad: {  	v40 =	vadd.s32 v2, v35;
	v35 =	vadd.s32 v2, v52;
	[tilespmem:v41+s15+$0x0] =	vst.idx.add.s32.msk $0xffff, v51;
	v51 =	vadd.s32 $0x10000, v59  }
0xae: {  	v59 =	vsel vm2, $0xFFFFFFFF, v0;
	v38 =	vadd.s32 v62, v39;
	v39 =	vadd.s32 v2, v46  }
0xaf: {  	v53 =	vcvt.f32.s32 v50;
	v46 =	vadd.s32 v2, v45;
	[tilespmem:v41+s16+$0x0] =	vst.idx.add.f32.msk $0xffff, v33;
	v41 =	vadd.s32 v59, v57  }
0xb0: {  	v45 =	vadd.s32 v2, v48;
	[tilespmem:v44+s15+$0x0] =	vst.idx.add.s32.msk $0xffff, v51;
	v58 =	vtrunc.f32 v55;
	v47 =	vtrunc.f32 v47  }
0xb1: {  	[tilespmem:v44+s16+$0x0] =	vst.idx.add.f32.msk $0xffff, v32;
	vm3 =	vlt.f32 v20, v60;
	v60 =	vadd.s32 $0x10000, v53;
	v47 =	vcvt.f32.s32 v47  }
0xb2: {  	v33 =	vadd.s32 v2, v56;
	v44 =	vsel vm1, $0xFFFFFFFF, v0;
	v62 =	vcvt.f32.s32 v58;
	[tilespmem:v63+s15+$0x0] =	vst.idx.add.s32.msk $0xffff, v60  }
0xb3: {  	v61 =	vsel vm3, $0xFFFFFFFF, v0;
	[tilespmem:v63+s16+$0x0] =	vst.idx.add.f32.msk $0xffff, v31;
	v63 =	vtrunc.f32 v49;
	v31 =	vadd.s32 $0x10000, v47  }
0xb4: {  	s24 =	simm.s32 $0x120;
	v32 =	vadd.s32 v61, v54;
	v47 =	vadd.s32 $0x10000, v62;
	[tilespmem:v46+s15+$0x0] =	vst.idx.add.s32.msk $0xffff, v31;
	v31 =	vcvt.f32.s32 v63  }
.LBB2_2:
0xb5: {  	p1 =	sne.s32 s24, $0x7740;
	v34 =	vadd.s32 v44, v34;
	[tilespmem:v46+s16+$0x0] =	vst.idx.add.f32.msk $0xffff, v13;
	v13 =	vtrunc.f32 v43;
	v36 =	vtrunc.f32 v36;
	s23 =	sadd.s32 $0x120, s23;
	s22 =	sadd.s32 $0x120, s22  }
0xb6: {  	s25 =	smov.u32 s24;
	s24 =	sadd.s32 $0x120, s24;
	[tilespmem:v29+s15+$0x0] =	vst.idx.add.s32.msk $0xffff, v47;
	v13 =	vcvt.f32.s32 v13;
	v36 =	vcvt.f32.s32 v36  }
0xb7: {  	v28 =	vtrunc.f32 v28;
	v27 =	vtrunc.f32 v27;
	[tilespmem:v29+s16+$0x0] =	vst.idx.add.f32.msk $0xffff, v10;
	v10 =	vadd.s32 $0x10000, v31  }
0xb8: {  	v27 =	vcvt.f32.s32 v27;
	[tilespmem:v45+s15+$0x0] =	vst.idx.add.s32.msk $0xffff, v10;
	v10 =	vcvt.f32.s32 v28  }
0xb9: {  	v28 =	vadd.s32 v2, v42;
	[tilespmem:v45+s16+$0x0] =	vst.idx.add.f32.msk $0xffff, v12;
	v12 =	vadd.s32 $0x10000, v13;
	v13 =	vtrunc.f32 v25  }
0xba: {  	[tilespmem:v30+s15+$0x0] =	vst.idx.add.s32.msk $0xffff, v12;
	v12 =	vcvt.f32.s32 v13;
	v13 =	vtrunc.f32 v24  }
0xbb: {  	v23 =	vtrunc.f32 v23;
	[tilespmem:v30+s16+$0x0] =	vst.idx.add.f32.msk $0xffff, v15;
	v15 =	vadd.s32 $0x10000, v36;
	v13 =	vcvt.f32.s32 v13  }
0xbc: {  	v22 =	vtrunc.f32 v22;
	[tilespmem:v40+s15+$0x0] =	vst.idx.add.s32.msk $0xffff, v15;
	v15 =	vcvt.f32.s32 v23  }
0xbd: {  	v10 =	vadd.s32 $0x10000, v10;
	v23 =	vadd.s32 v2, v41;
	[tilespmem:v40+s16+$0x0] =	vst.idx.add.f32.msk $0xffff, v17;
	v17 =	vcvt.f32.s32 v22  }
0xbe: {  	v19 =	vtrunc.f32 v19;
	[tilespmem:v39+s15+$0x0] =	vst.idx.add.s32.msk $0xffff, v10;
	v10 =	vtrunc.f32 v21  }
0xbf: {  	v19 =	vcvt.f32.s32 v19;
	[tilespmem:v39+s16+$0x0] =	vst.idx.add.f32.msk $0xffff, v8;
	v8 =	vadd.s32 $0x10000, v27;
	v10 =	vcvt.f32.s32 v10  }
0xc0: {  	v9 =	vtrunc.f32 v9;
	v21 =	vadd.s32 v2, v38;
	[tilespmem:v28+s15+$0x0] =	vst.idx.add.s32.msk $0xffff, v8;
	v8 =	vtrunc.f32 v11  }
0xc1: {  	v9 =	vcvt.f32.s32 v9;
	[tilespmem:v28+s16+$0x0] =	vst.idx.add.f32.msk $0xffff, v7;
	v7 =	vadd.s32 $0x10000, v12;
	v8 =	vcvt.f32.s32 v8  }
0xc2: {  	[tilespmem:v37+s15+$0x0] =	vst.idx.add.s32.msk $0xffff, v7  }
0xc3: {  	v7 =	vadd.s32 v2, v34;
	[tilespmem:v37+s16+$0x0] =	vst.idx.add.f32.msk $0xffff, v6;
	v6 =	vadd.s32 $0x10000, v13  }
0xc4: {  	[tilespmem:v23+s15+$0x0] =	vst.idx.add.s32.msk $0xffff, v6  }
0xc5: {  	v6 =	vsel vm0, $0xFFFFFFFF, v0;
	[tilespmem:v23+s16+$0x0] =	vst.idx.add.f32.msk $0xffff, v5;
	v5 =	vadd.s32 $0x10000, v15  }
0xc6: {  	v6 =	vadd.s32 v6, v26;
	[tilespmem:v33+s15+$0x0] =	vst.idx.add.s32.msk $0xffff, v5  }
0xc7: {  	v5 =	vadd.s32 v2, v6;
	[tilespmem:v33+s16+$0x0] =	vst.idx.add.f32.msk $0xffff, v4;
	v4 =	vadd.s32 $0x10000, v17  }
0xc8: {  	[tilespmem:v35+s15+$0x0] =	vst.idx.add.s32.msk $0xffff, v4  }
0xc9: {  	v4 =	vadd.s32 v2, v32;
	[tilespmem:v35+s16+$0x0] =	vst.idx.add.f32.msk $0xffff, v3;
	v3 =	vadd.s32 $0x10000, v10  }
0xca: {  	[tilespmem:v7+s15+$0x0] =	vst.idx.add.s32.msk $0xffff, v3  }
0xcb: {  	v3 =	vadd.s32 $0x10000, v19;
	[tilespmem:v7+s16+$0x0] =	vst.idx.add.f32.msk $0xffff, v16  }
0xcc: {  	[tilespmem:v21+s15+$0x0] =	vst.idx.add.s32.msk $0xffff, v3  }
0xcd: {  	v3 =	vadd.s32 $0x10000, v8;
	[tilespmem:v21+s16+$0x0] =	vst.idx.add.f32.msk $0xffff, v18  }
0xce: {  	[tilespmem:v5+s15+$0x0] =	vst.idx.add.s32.msk $0xffff, v3  }
0xcf: {  	v3 =	vadd.s32 $0x10000, v9;
	[tilespmem:v5+s16+$0x0] =	vst.idx.add.f32.msk $0xffff, v14  }
0xd0: {  	[tilespmem:v4+s15+$0x0] =	vst.idx.add.s32.msk $0xffff, v3  }
0xd1: {  	[tilespmem:v4+s16+$0x0] =	vst.idx.add.f32.msk $0xffff, v20;
	_ =	sdelay $0x1  }
0xd2: {  	v33 =	vld [tilespmem:s22+$0xFFFFFF70]  }
0xd3: {  	v3 =	vld [tilespmem:s22+$0x40]  }
0xd4: {  	v32 =	vld [tilespmem:s22+$0xFFFFFF80]  }
0xd5: {  	v4 =	vld [tilespmem:s22+$0x30]  }
0xd6: {  	v31 =	vld [tilespmem:s22+$0xFFFFFF90]  }
0xd7: {  	v5 =	vld [tilespmem:s22+$0x20];
	v7 =	vmul.f32 $1.500000000e+01, v33  }
0xd8: {  	v13 =	vld [tilespmem:s22+$0xFFFFFFA0];
	v8 =	vmul.f32 $1.500000000e+01, v3  }
0xd9: {  	v6 =	vld [tilespmem:s22+$0x10];
	v7 =	vtrunc.f32 v7;
	v9 =	vmul.f32 $1.500000000e+01, v32  }
0xda: {  	v10 =	vld [tilespmem:s22+$0xFFFFFFB0];
	v11 =	vcvt.f32.s32 v7;
	v14 =	vtrunc.f32 v8  }
0xdb: {  	v7 =	vld [tilespmem:s22+$0x0];
	v8 =	vtrunc.f32 v9;
	v9 =	vmul.f32 $1.500000000e+01, v4  }
0xdc: {  	s25 =	sand.u32 $0xFFE0, s25;
	v18 =	vmul.f32 $1.500000000e+01, v31;
	v12 =	vld [tilespmem:s22+$0xFFFFFFC0];
	vm0 =	vlt.s32 v11, $0xE;
	v16 =	vcvt.f32.s32 v8  }
0xdd: {  	v8 =	vld [tilespmem:s25+$0x80];
	v20 =	vnsel vm0, $0xE, v11;
	v11 =	vmul.f32 $1.500000000e+01, v13;
	v9 =	vtrunc.f32 v9  }
0xde: {  	v24 =	vcvt.f32.s32 v14;
	v19 =	vmul.f32 $1.500000000e+01, v5;
	v15 =	vld [tilespmem:s22+$0xFFFFFFD0];
	vm0 =	vlt.s32 v16, $0xE  }
0xdf: {  	v17 =	vld [tilespmem:s22+$0xFFFFFFE0];
	v25 =	vnsel vm0, $0xE, v16;
	v14 =	vmul.f32 $1.500000000e+01, v10;
	v16 =	vcvt.f32.s32 v9  }
0xe0: {  	v21 =	vmul.f32 $1.500000000e+01, v6;
	v26 =	vtrunc.f32 v11  }
0xe1: {  	v11 =	vtrunc.f32 v19;
	v9 =	vtrunc.f32 v14;
	vm2 =	vlt.s32 v16, $0xE  }
0xe2: {  	vm1 =	vlt.s32 v24, $0xE;
	v37 =	vcvt.f32.s32 v11;
	v14 =	vcvt.f32.s32 v9;
	v23 =	vld.idx.msk [tilespmem:v20+s10+$0x0], $0xffff  }
0xe3: {  	v19 =	vmul.f32 $1.500000000e+01, v7;
	v11 =	vmul.f32 $1.500000000e+01, v15;
	v9 =	vld [tilespmem:s23+$0x80]  }
0xe4: {  	v22 =	vmul.f32 $1.500000000e+01, v12;
	v27 =	vmul.f32 $1.500000000e+01, v8;
	vm0 =	vlt.s32 v14, $0xE;
	v28 =	vld.idx.msk [tilespmem:v25+s10+$0x0], $0xffff  }
0xe5: {  	v30 =	vtrunc.f32 v19;
	v29 =	vnsel vm0, $0xE, v14;
	v14 =	vtrunc.f32 v11;
	v11 =	vld [tilespmem:s25+$0x7B80]  }
0xe6: {  	v34 =	vtrunc.f32 v21;
	vm0 =	vlt.s32 v37, $0xE;
	v14 =	vcvt.f32.s32 v14;
	v19 =	vld [tilespmem:s23+$0x60]  }
0xe7: {  	v35 =	vnsel vm2, $0xE, v16;
	v36 =	vtrunc.f32 v22;
	v27 =	vtrunc.f32 v27;
	v21 =	vld [tilespmem:s23+$0x50]  }
0xe8: {  	v34 =	vcvt.f32.s32 v34;
	vm3 =	vlt.f32 v33, v23;
	vm2 =	vlt.s32 v14, $0xE;
	v22 =	vld [tilespmem:s23+$0x40]  }
0xe9: {  	v27 =	vcvt.f32.s32 v27;
	v39 =	vnsel vm2, $0xE, v14;
	v23 =	vld [tilespmem:s23+$0x30];
	v14 =	vsel vm3, $0xFFFFFFFF, v0  }
0xea: {  	v30 =	vcvt.f32.s32 v30;
	vm2 =	vlt.f32 v32, v28;
	v40 =	vld.idx.msk [tilespmem:v29+s10+$0x0], $0xffff;
	v14 =	vadd.s32 v14, v20  }
0xeb: {  	vm3 =	vlt.s32 v34, $0xE;
	v20 =	vsel vm2, $0xFFFFFFFF, v0;
	v16 =	vld [tilespmem:s22+$0x50];
	v38 =	vadd.s32 v2, v14  }
0xec: {  	v28 =	vtrunc.f32 v18;
	v42 =	vnsel vm3, $0xE, v34;
	v20 =	vadd.s32 v20, v25;
	v14 =	vld [tilespmem:s25+$0x100]  }
0xed: {  	v28 =	vcvt.f32.s32 v28;
	vm2 =	vlt.s32 v30, $0xE;
	v41 =	vadd.s32 v2, v20;
	v18 =	vld [tilespmem:s22+$0x60]  }
0xee: {  	v26 =	vcvt.f32.s32 v26;
	v34 =	vcvt.f32.s32 v36;
	vm3 =	vlt.s32 v27, $0xE;
	v43 =	vld.idx.msk [tilespmem:v39+s10+$0x0], $0xffff  }
0xef: {  	v44 =	vnsel vm1, $0xE, v24;
	v36 =	vmul.f32 $1.500000000e+01, v17;
	vm4 =	vlt.s32 v28, $0xE;
	v24 =	vld [tilespmem:s23+$0x20]  }
0xf0: {  	vm5 =	vlt.s32 v26, $0xE;
	vm6 =	vlt.f32 v10, v40;
	v45 =	vmul.f32 $1.500000000e+01, v16;
	v25 =	vld [tilespmem:s23+$0x10]  }
0xf1: {  	vm1 =	vlt.s32 v34, $0xE;
	v40 =	vnsel vm4, $0xE, v28;
	v28 =	vsel vm6, $0xFFFFFFFF, v0;
	v20 =	vld [tilespmem:s22+$0x80]  }
0xf2: {  	v46 =	vnsel vm5, $0xE, v26;
	v47 =	vnsel vm3, $0xE, v27;
	v26 =	vadd.s32 v28, v29;
	v27 =	vld [tilespmem:s23+$0x0]  }
0xf3: {  	v36 =	vtrunc.f32 v36;
	v48 =	vmul.f32 $1.500000000e+01, v14;
	v29 =	vadd.s32 v2, v26;
	v28 =	vld [tilespmem:s25+$0x7B00]  }
0xf4: {  	v49 =	vnsel vm2, $0xE, v30;
	v26 =	vcvt.f32.s32 v36;
	vm2 =	vlt.f32 v15, v43;
	v36 =	vld [tilespmem:s23+$0xFFFFFFE0]  }
0xf5: {  	v43 =	vtrunc.f32 v45;
	v45 =	vtrunc.f32 v48;
	v30 =	vsel vm2, $0xFFFFFFFF, v0;
	v48 =	vld.idx.msk [tilespmem:v42+s10+$0x0], $0xffff  }
0xf6: {  	v50 =	vmul.f32 $1.500000000e+01, v18;
	vm2 =	vlt.s32 v26, $0xE;
	v30 =	vadd.s32 v30, v39;
	v51 =	vld [tilespmem:s23+$0xFFFFFF70]  }
0xf7: {  	v39 =	vnsel vm2, $0xE, v26;
	v26 =	vmul.f32 $1.500000000e+01, v20;
	v30 =	vadd.s32 v2, v30;
	v52 =	vld.idx.msk [tilespmem:v44+s10+$0x0], $0xffff  }
0xf8: {  	v53 =	vnsel vm1, $0xE, v34;
	v34 =	vcvt.f32.s32 v43;
	v43 =	vtrunc.f32 v50;
	v50 =	vld.idx.msk [tilespmem:v47+s10+$0x0], $0xffff  }
0xf9: {  	v43 =	vcvt.f32.s32 v43;
	v26 =	vtrunc.f32 v26;
	v54 =	vld.idx.msk [tilespmem:v40+s10+$0x0], $0xffff  }
0xfa: {  	v45 =	vcvt.f32.s32 v45;
	vm1 =	vlt.s32 v34, $0xE;
	v55 =	vcvt.f32.s32 v26;
	v56 =	vld.idx.msk [tilespmem:v35+s10+$0x0], $0xffff  }
0xfb: {  	v34 =	vnsel vm1, $0xE, v34;
	vm1 =	vlt.s32 v43, $0xE;
	v57 =	vld.idx.msk [tilespmem:v49+s10+$0x0], $0xffff;
	v51 =	vtrunc.f32 v51  }
0xfc: {  	v58 =	vnsel vm0, $0xE, v37;
	vm0 =	vlt.s32 v45, $0xE;
	vm2 =	vlt.f32 v6, v48;
	v37 =	vld.idx.msk [tilespmem:v39+s10+$0x0], $0xffff  }
0xfd: {  	v26 =	vnsel vm0, $0xE, v45;
	v48 =	vsel vm2, $0xFFFFFFFF, v0;
	vm0 =	vlt.f32 v3, v52;
	v45 =	vld.idx.msk [tilespmem:v53+s10+$0x0], $0xffff  }
0xfe: {  	vm2 =	vlt.s32 v55, $0xE;
	v42 =	vadd.s32 v48, v42;
	v48 =	vsel vm0, $0xFFFFFFFF, v0;
	v52 =	vld.idx.msk [tilespmem:v46+s10+$0x0], $0xffff  }
0xff: {  	v59 =	vnsel vm1, $0xE, v43;
	v44 =	vadd.s32 v48, v44;
	v48 =	vcvt.f32.s32 v51;
	v60 =	vld [tilespmem:s23+$0xFFFFFF80]  }
0x100: {  	vm0 =	vlt.f32 v8, v50;
	v51 =	vnsel vm2, $0xE, v55;
	vm1 =	vlt.f32 v31, v54;
	v55 =	vld.idx.msk [tilespmem:v34+s10+$0x0], $0xffff  }
0x101: {  	v50 =	vsel vm0, $0xFFFFFFFF, v0;
	vm2 =	vlt.f32 v4, v56;
	vm0 =	vlt.f32 v7, v57;
	v43 =	vld [tilespmem:s23+$0xFFFFFFD0]  }
0x102: {  	v56 =	vsel vm1, $0xFFFFFFFF, v0;
	v47 =	vadd.s32 v50, v47;
	v48 =	vadd.s32 $0x10000, v48;
	v54 =	vld.idx.msk [tilespmem:v58+s10+$0x0], $0xffff  }
0x103: {  	v56 =	vadd.s32 v56, v40;
	vm1 =	vlt.f32 v17, v37;
	v37 =	vsel vm2, $0xFFFFFFFF, v0;
	v50 =	vld [tilespmem:s23+$0xFFFFFFC0]  }
0x104: {  	v40 =	vsel vm1, $0xFFFFFFFF, v0;
	v61 =	vadd.s32 v37, v35;
	v57 =	vld.idx.msk [tilespmem:v59+s10+$0x0], $0xffff;
	v35 =	vtrunc.f32 v60  }
0x105: {  	vm1 =	vlt.f32 v12, v45;
	v37 =	vadd.s32 v40, v39;
	v60 =	vld [tilespmem:s23+$0xFFFFFF90];
	v62 =	vcvt.f32.s32 v35  }
0x106: {  	v45 =	vsel vm1, $0xFFFFFFFF, v0;
	v40 =	vadd.s32 v2, v37;
	v35 =	vadd.s32 v2, v44;
	v63 =	vld [tilespmem:s23+$0xFFFFFFB0]  }
0x107: {  	vm1 =	vlt.f32 v13, v52;
	v39 =	vadd.s32 v2, v47;
	v37 =	vadd.s32 v2, v42;
	v1 =	vld [tilespmem:s23+$0xFFFFFFA0]  }
0x108: {  	v52 =	vadd.s32 v2, v56;
	v42 =	vsel vm1, $0xFFFFFFFF, v0;
	v44 =	vsel vm0, $0xFFFFFFFF, v0;
	v47 =	vld.idx.msk [tilespmem:v26+s10+$0x0], $0xffff  }
0x109: {  	v46 =	vadd.s32 v42, v46;
	vm0 =	vlt.f32 v16, v55;
	v42 =	vadd.s32 v44, v49;
	v56 =	vld.idx.msk [tilespmem:v51+s10+$0x0], $0xffff  }
0x10a: {  	v45 =	vadd.s32 v45, v53;
	v46 =	vadd.s32 v2, v46;
	v44 =	vsel vm0, $0xFFFFFFFF, v0;
	[tilespmem:v38+s15+$0x0] =	vst.idx.add.s32.msk $0xffff, v48  }
0x10b: {  	v45 =	vadd.s32 v2, v45;
	vm0 =	vlt.f32 v18, v57;
	[tilespmem:v38+s16+$0x0] =	vst.idx.add.f32.msk $0xffff, v33;
	v33 =	vadd.s32 $0x10000, v62  }
0x10c: {  	v38 =	vsel vm0, $0xFFFFFFFF, v0;
	[tilespmem:v41+s15+$0x0] =	vst.idx.add.s32.msk $0xffff, v33;
	v33 =	vtrunc.f32 v60;
	v1 =	vtrunc.f32 v1  }
0x10d: {  	v38 =	vadd.s32 v38, v59;
	[tilespmem:v41+s16+$0x0] =	vst.idx.add.f32.msk $0xffff, v32;
	v32 =	vcvt.f32.s32 v33;
	v1 =	vcvt.f32.s32 v1  }
.Ltmp2:
0x10e: {  	vm1 =	vlt.f32 v5, v54;
	vm0 =	vlt.f32 v14, v47;
	v47 =	vtrunc.f32 v63;
	(pc) =	sbr.rel @p1 .LBB2_2-.Ltmp2, $4  }
0x10f: {  	v41 =	vsel vm1, $0xFFFFFFFF, v0;
	v33 =	vadd.s32 v2, v61;
	v32 =	vadd.s32 $0x10000, v32  }
0x110: {  	v41 =	vadd.s32 v41, v58;
	vm1 =	vlt.f32 v20, v56;
	v47 =	vcvt.f32.s32 v47;
	[tilespmem:v52+s15+$0x0] =	vst.idx.add.s32.msk $0xffff, v32  }
0x111: {  	v1 =	vadd.s32 $0x10000, v1;
	v32 =	vsel vm1, $0xFFFFFFFF, v0;
	[tilespmem:v52+s16+$0x0] =	vst.idx.add.f32.msk $0xffff, v31;
	v31 =	vtrunc.f32 v50  }
0x112: {  	v47 =	vadd.s32 $0x10000, v47;
	v32 =	vadd.s32 v32, v51;
	[tilespmem:v46+s15+$0x0] =	vst.idx.add.s32.msk $0xffff, v1;
	v31 =	vcvt.f32.s32 v31  }
0x113: {  	_ =	sdelay $0x3  }
0x114: {  	[tilespmem:v46+s16+$0x0] =	vst.idx.add.f32.msk $0xffff, v13  }
0x115: {  	v1 =	vtrunc.f32 v43;
	[tilespmem:v29+s15+$0x0] =	vst.idx.add.s32.msk $0xffff, v47  }
0x116: {  	v1 =	vcvt.f32.s32 v1;
	v62 =	vadd.s32 $0x10000, v31;
	[tilespmem:v29+s16+$0x0] =	vst.idx.add.f32.msk $0xffff, v10  }
0x117: {  	v63 =	vtrunc.f32 v36;
	[tilespmem:v45+s15+$0x0] =	vst.idx.add.s32.msk $0xffff, v62  }
0x118: {  	v29 =	vcvt.f32.s32 v63;
	v1 =	vadd.s32 $0x10000, v1;
	[tilespmem:v45+s16+$0x0] =	vst.idx.add.f32.msk $0xffff, v12  }
0x119: {  	v31 =	vtrunc.f32 v28;
	[tilespmem:v30+s15+$0x0] =	vst.idx.add.s32.msk $0xffff, v1  }
0x11a: {  	v36 =	vadd.s32 v2, v42;
	v10 =	vadd.s32 $0x10000, v29;
	v1 =	vcvt.f32.s32 v31;
	[tilespmem:v30+s16+$0x0] =	vst.idx.add.f32.msk $0xffff, v15  }
0x11b: {  	v42 =	vtrunc.f32 v27;
	[tilespmem:v40+s15+$0x0] =	vst.idx.add.s32.msk $0xffff, v10  }
0x11c: {  	v43 =	vcvt.f32.s32 v42;
	v1 =	vadd.s32 $0x10000, v1;
	[tilespmem:v40+s16+$0x0] =	vst.idx.add.f32.msk $0xffff, v17  }
0x11d: {  	v45 =	vtrunc.f32 v25;
	[tilespmem:v39+s15+$0x0] =	vst.idx.add.s32.msk $0xffff, v1  }
0x11e: {  	v46 =	vadd.s32 v2, v41;
	v47 =	vadd.s32 $0x10000, v43;
	v1 =	vcvt.f32.s32 v45;
	[tilespmem:v39+s16+$0x0] =	vst.idx.add.f32.msk $0xffff, v8  }
0x11f: {  	v48 =	vtrunc.f32 v24;
	[tilespmem:v36+s15+$0x0] =	vst.idx.add.s32.msk $0xffff, v47  }
0x120: {  	v49 =	vcvt.f32.s32 v48;
	v1 =	vadd.s32 $0x10000, v1;
	[tilespmem:v36+s16+$0x0] =	vst.idx.add.f32.msk $0xffff, v7  }
0x121: {  	v50 =	vtrunc.f32 v23;
	[tilespmem:v37+s15+$0x0] =	vst.idx.add.s32.msk $0xffff, v1  }
0x122: {  	v52 =	vadd.s32 $0x10000, v49;
	v1 =	vcvt.f32.s32 v50;
	[tilespmem:v37+s16+$0x0] =	vst.idx.add.f32.msk $0xffff, v6  }
0x123: {  	v51 =	vtrunc.f32 v22;
	v53 =	vadd.s32 v44, v34;
	[tilespmem:v46+s15+$0x0] =	vst.idx.add.s32.msk $0xffff, v52  }
0x124: {  	v8 =	vadd.s32 v2, v53;
	v7 =	vcvt.f32.s32 v51;
	v1 =	vadd.s32 $0x10000, v1;
	[tilespmem:v46+s16+$0x0] =	vst.idx.add.f32.msk $0xffff, v5  }
0x125: {  	v54 =	vtrunc.f32 v21;
	v56 =	vsel vm0, $0xFFFFFFFF, v0;
	[tilespmem:v33+s15+$0x0] =	vst.idx.add.s32.msk $0xffff, v1  }
0x126: {  	v55 =	vcvt.f32.s32 v54;
	v57 =	vadd.s32 $0x10000, v7;
	v1 =	vadd.s32 v2, v38;
	[tilespmem:v33+s16+$0x0] =	vst.idx.add.f32.msk $0xffff, v4  }
0x127: {  	v58 =	vtrunc.f32 v19;
	v6 =	vadd.s32 v56, v26;
	[tilespmem:v35+s15+$0x0] =	vst.idx.add.s32.msk $0xffff, v57  }
0x128: {  	v59 =	vcvt.f32.s32 v58;
	v6 =	vadd.s32 v2, v6;
	[tilespmem:v35+s16+$0x0] =	vst.idx.add.f32.msk $0xffff, v3;
	v3 =	vadd.s32 $0x10000, v55  }
0x129: {  	v60 =	vtrunc.f32 v11;
	[tilespmem:v8+s15+$0x0] =	vst.idx.add.s32.msk $0xffff, v3  }
0x12a: {  	v61 =	vadd.s32 v2, v32;
	v4 =	vadd.s32 $0x10000, v59;
	v3 =	vcvt.f32.s32 v60;
	[tilespmem:v8+s16+$0x0] =	vst.idx.add.f32.msk $0xffff, v16  }
0x12b: {  	v62 =	vtrunc.f32 v9;
	[tilespmem:v1+s15+$0x0] =	vst.idx.add.s32.msk $0xffff, v4  }
.Ltmp3:
0x12c: {  	v63 =	vcvt.f32.s32 v62;
	[tilespmem:v1+s16+$0x0] =	vst.idx.add.f32.msk $0xffff, v18;
	v1 =	vadd.s32 $0x10000, v3;
	(pc) =	sbr.rel @p0 .LBB2_5-.Ltmp3, $4  }
0x12d: {  	[tilespmem:v6+s15+$0x0] =	vst.idx.add.s32.msk $0xffff, v1  }
0x12e: {  	v1 =	vadd.s32 $0x10000, v63;
	[tilespmem:v6+s16+$0x0] =	vst.idx.add.f32.msk $0xffff, v14  }
0x12f: {  	[tilespmem:v61+s15+$0x0] =	vst.idx.add.s32.msk $0xffff, v1  }
0x130: {  	[tilespmem:v61+s16+$0x0] =	vst.idx.add.f32.msk $0xffff, v20  }
0x131: {  	_ =	swait.ge [sflag:s19], $0x1C0  }
0x132: {  	[sflag:s19] =	ssyncset.done $0x0  }
0x133: {  	[sflag:s19] =	ssyncadd.s32 $0xFFFFFE40  }
0x134: {  	_ =	swait.ge [sflag:s20], $0x1C0  }
0x135: {  	[sflag:s20] =	ssyncset.done $0x0  }
0x136: {  	[sflag:s20] =	ssyncadd.s32 $0xFFFFFE40  }
0x137: {  	v1 =	vld [tilespmem:$0x7860]  }
0x138: {  	v3 =	vld [tilespmem:$0x7870]  }
0x139: {  	v4 =	vld [tilespmem:$0x7880]  }
0x13a: {  	v5 =	vld [tilespmem:$0x7890]  }
0x13b: {  	v7 =	vld [tilespmem:$0x78A0]  }
0x13c: {  	v10 =	vld [tilespmem:$0x78B0];
	_ =	sdelay $0x2  }
0x13d: {  	v6 =	vmul.f32 $1.500000000e+01, v1;
	v8 =	vmul.f32 $1.500000000e+01, v3  }
0x13e: {  	v9 =	vmul.f32 $1.500000000e+01, v4;
	v11 =	vmul.f32 $1.500000000e+01, v5  }
0x13f: {  	v13 =	vmul.f32 $1.500000000e+01, v7;
	v14 =	vmul.f32 $1.500000000e+01, v10  }
0x140: {  	v6 =	vtrunc.f32 v6;
	v8 =	vtrunc.f32 v8  }
0x141: {  	v12 =	vld [tilespmem:$0x78C0];
	v9 =	vtrunc.f32 v9;
	v6 =	vcvt.f32.s32 v6  }
0x142: {  	v11 =	vtrunc.f32 v11;
	v8 =	vcvt.f32.s32 v8  }
0x143: {  	v13 =	vtrunc.f32 v13;
	v9 =	vcvt.f32.s32 v9;
	vm0 =	vlt.s32 v6, $0xE  }
0x144: {  	v11 =	vcvt.f32.s32 v11;
	vm10 =	vlt.s32 v8, $0xE;
	v6 =	vnsel vm0, $0xE, v6  }
0x145: {  	v13 =	vcvt.f32.s32 v13;
	vm1 =	vlt.s32 v9, $0xE;
	v8 =	vnsel vm10, $0xE, v8  }
0x146: {  	v15 =	vmul.f32 $1.500000000e+01, v12;
	vm11 =	vlt.s32 v11, $0xE;
	v9 =	vnsel vm1, $0xE, v9  }
0x147: {  	v14 =	vtrunc.f32 v14;
	vm12 =	vlt.s32 v13, $0xE;
	v11 =	vnsel vm11, $0xE, v11  }
0x148: {  	v21 =	vld [tilespmem:$0xF2E0];
	v14 =	vcvt.f32.s32 v14;
	v13 =	vnsel vm12, $0xE, v13  }
0x149: {  	v15 =	vtrunc.f32 v15;
	v16 =	vld.idx.msk [tilespmem:v6+s10+$0x0], $0xffff  }
0x14a: {  	v15 =	vcvt.f32.s32 v15;
	vm13 =	vlt.s32 v14, $0xE;
	v17 =	vld.idx.msk [tilespmem:v8+s10+$0x0], $0xffff  }
0x14b: {  	v14 =	vnsel vm13, $0xE, v14;
	v18 =	vld.idx.msk [tilespmem:v9+s10+$0x0], $0xffff  }
0x14c: {  	vm14 =	vlt.s32 v15, $0xE;
	v19 =	vld.idx.msk [tilespmem:v11+s10+$0x0], $0xffff  }
0x14d: {  	v15 =	vnsel vm14, $0xE, v15;
	v20 =	vld.idx.msk [tilespmem:v13+s10+$0x0], $0xffff  }
0x14e: {  	v33 =	vld [tilespmem:$0xF2F0]  }
0x14f: {  	v35 =	vld [tilespmem:$0xF300];
	vm15 =	vlt.f32 v1, v16  }
0x150: {  	v37 =	vtrunc.f32 v21;
	v22 =	vld.idx.msk [tilespmem:v14+s10+$0x0], $0xffff;
	vm4 =	vlt.f32 v3, v17;
	v34 =	vsel vm15, $0xFFFFFFFF, v0  }
0x151: {  	vm5 =	vlt.f32 v4, v18;
	vm6 =	vlt.f32 v5, v19;
	v6 =	vadd.s32 v34, v6  }
0x152: {  	v24 =	vld.idx.msk [tilespmem:v15+s10+$0x0], $0xffff;
	vm7 =	vlt.f32 v7, v20;
	v23 =	vsel vm4, $0xFFFFFFFF, v0;
	v6 =	vadd.s32 v2, v6  }
0x153: {  	v36 =	vld [tilespmem:$0xF310];
	v16 =	vtrunc.f32 v33;
	v18 =	vsel vm5, $0xFFFFFFFF, v0;
	v8 =	vadd.s32 v23, v8  }
0x154: {  	v38 =	vld [tilespmem:$0xF320];
	v9 =	vadd.s32 v18, v9;
	v18 =	vcvt.f32.s32 v37;
	v8 =	vadd.s32 v2, v8  }
0x155: {  	v25 =	vld [tilespmem:$0xF330];
	v17 =	vtrunc.f32 v35;
	vm8 =	vlt.f32 v10, v22;
	v39 =	vsel vm6, $0xFFFFFFFF, v0  }
0x156: {  	v40 =	vld [tilespmem:$0xF340];
	v16 =	vcvt.f32.s32 v16;
	v9 =	vadd.s32 v2, v9;
	v18 =	vadd.s32 $0x10000, v18  }
0x157: {  	vm9 =	vlt.f32 v12, v24;
	v41 =	vsel vm7, $0xFFFFFFFF, v0;
	v11 =	vadd.s32 v39, v11;
	[tilespmem:v6+s15+$0x0] =	vst.idx.add.s32.msk $0xffff, v18  }
0x158: {  	v42 =	vcvt.f32.s32 v17;
	v11 =	vadd.s32 v2, v11;
	[tilespmem:v6+s16+$0x0] =	vst.idx.add.f32.msk $0xffff, v1;
	v1 =	vadd.s32 $0x10000, v16  }
0x159: {  	v43 =	vsel vm8, $0xFFFFFFFF, v0;
	v13 =	vadd.s32 v41, v13;
	[tilespmem:v8+s15+$0x0] =	vst.idx.add.s32.msk $0xffff, v1;
	v1 =	vtrunc.f32 v36  }
0x15a: {  	v13 =	vadd.s32 v2, v13;
	[tilespmem:v8+s16+$0x0] =	vst.idx.add.f32.msk $0xffff, v3;
	v3 =	vadd.s32 $0x10000, v42;
	v1 =	vcvt.f32.s32 v1  }
0x15b: {  	v45 =	vsel vm9, $0xFFFFFFFF, v0;
	v14 =	vadd.s32 v43, v14;
	[tilespmem:v9+s15+$0x0] =	vst.idx.add.s32.msk $0xffff, v3;
	v3 =	vtrunc.f32 v38  }
0x15c: {  	v44 =	vadd.s32 v2, v14;
	[tilespmem:v9+s16+$0x0] =	vst.idx.add.f32.msk $0xffff, v4;
	v1 =	vadd.s32 $0x10000, v1;
	v3 =	vcvt.f32.s32 v3  }
0x15d: {  	v46 =	vadd.s32 v45, v15;
	[tilespmem:v11+s15+$0x0] =	vst.idx.add.s32.msk $0xffff, v1;
	v1 =	vtrunc.f32 v25  }
0x15e: {  	v4 =	vadd.s32 v2, v46;
	[tilespmem:v11+s16+$0x0] =	vst.idx.add.f32.msk $0xffff, v5;
	v3 =	vadd.s32 $0x10000, v3;
	v1 =	vcvt.f32.s32 v1  }
0x15f: {  	[tilespmem:v13+s15+$0x0] =	vst.idx.add.s32.msk $0xffff, v3;
	v3 =	vtrunc.f32 v40  }
0x160: {  	[tilespmem:v13+s16+$0x0] =	vst.idx.add.f32.msk $0xffff, v7;
	v1 =	vadd.s32 $0x10000, v1;
	v3 =	vcvt.f32.s32 v3  }
0x161: {  	[tilespmem:v44+s15+$0x0] =	vst.idx.add.s32.msk $0xffff, v1  }
0x162: {  	[tilespmem:v44+s16+$0x0] =	vst.idx.add.f32.msk $0xffff, v10;
	v1 =	vadd.s32 $0x10000, v3  }
0x163: {  	[tilespmem:v4+s15+$0x0] =	vst.idx.add.s32.msk $0xffff, v1  }
0x164: {  	[tilespmem:v4+s16+$0x0] =	vst.idx.add.f32.msk $0xffff, v12  }
0x165: {  	v1 =	vld [tilespmem:$0x78D0]  }
0x166: {  	v3 =	vld [tilespmem:$0x78E0]  }
0x167: {  	v4 =	vld [tilespmem:$0x78F0]  }
0x168: {  	v5 =	vld [tilespmem:$0x7900]  }
0x169: {  	v7 =	vld [tilespmem:$0x7910]  }
0x16a: {  	v10 =	vld [tilespmem:$0x7920]  }
0x16b: {  	v12 =	vld [tilespmem:$0x7930]  }
0x16c: {  	v47 =	vmul.f32 $1.500000000e+01, v1  }
0x16d: {  	v48 =	vmul.f32 $1.500000000e+01, v3;
	v49 =	vmul.f32 $1.500000000e+01, v4  }
0x16e: {  	v50 =	vmul.f32 $1.500000000e+01, v5;
	v51 =	vmul.f32 $1.500000000e+01, v7  }
0x16f: {  	v52 =	vmul.f32 $1.500000000e+01, v10;
	v6 =	vtrunc.f32 v47  }
0x170: {  	v53 =	vmul.f32 $1.500000000e+01, v12;
	v6 =	vcvt.f32.s32 v6  }
0x171: {  	v8 =	vtrunc.f32 v48;
	v9 =	vtrunc.f32 v49  }
0x172: {  	v11 =	vtrunc.f32 v50;
	v8 =	vcvt.f32.s32 v8;
	vm10 =	vlt.s32 v6, $0xE  }
0x173: {  	v13 =	vtrunc.f32 v51;
	v9 =	vcvt.f32.s32 v9;
	v6 =	vnsel vm10, $0xE, v6  }
0x174: {  	v14 =	vtrunc.f32 v52;
	v11 =	vcvt.f32.s32 v11;
	vm11 =	vlt.s32 v8, $0xE  }
0x175: {  	v13 =	vcvt.f32.s32 v13;
	vm12 =	vlt.s32 v9, $0xE;
	v8 =	vnsel vm11, $0xE, v8  }
0x176: {  	v58 =	vld [tilespmem:$0xF350];
	v14 =	vcvt.f32.s32 v14;
	vm13 =	vlt.s32 v11, $0xE;
	v9 =	vnsel vm12, $0xE, v9  }
0x177: {  	v60 =	vld [tilespmem:$0xF360];
	v15 =	vtrunc.f32 v53;
	vm14 =	vlt.s32 v13, $0xE;
	v11 =	vnsel vm13, $0xE, v11  }
0x178: {  	v15 =	vcvt.f32.s32 v15;
	vm15 =	vlt.s32 v14, $0xE;
	v13 =	vnsel vm14, $0xE, v13;
	v54 =	vld.idx.msk [tilespmem:v6+s10+$0x0], $0xffff  }
0x179: {  	v28 =	vld [tilespmem:$0xF370];
	v14 =	vnsel vm15, $0xE, v14  }
0x17a: {  	vm4 =	vlt.s32 v15, $0xE;
	v55 =	vld.idx.msk [tilespmem:v8+s10+$0x0], $0xffff  }
0x17b: {  	v15 =	vnsel vm4, $0xE, v15;
	v18 =	vld.idx.msk [tilespmem:v9+s10+$0x0], $0xffff  }
0x17c: {  	v56 =	vld.idx.msk [tilespmem:v11+s10+$0x0], $0xffff  }
0x17d: {  	v57 =	vld.idx.msk [tilespmem:v13+s10+$0x0], $0xffff;
	vm5 =	vlt.f32 v1, v54  }
0x17e: {  	v30 =	vtrunc.f32 v58;
	v16 =	vtrunc.f32 v60;
	v59 =	vld.idx.msk [tilespmem:v14+s10+$0x0], $0xffff;
	v61 =	vsel vm5, $0xFFFFFFFF, v0  }
0x17f: {  	v17 =	vtrunc.f32 v28;
	vm6 =	vlt.f32 v3, v55;
	v6 =	vadd.s32 v61, v6  }
0x180: {  	v63 =	vld.idx.msk [tilespmem:v15+s10+$0x0], $0xffff;
	vm7 =	vlt.f32 v4, v18;
	v62 =	vsel vm6, $0xFFFFFFFF, v0;
	v6 =	vadd.s32 v2, v6  }
0x181: {  	v29 =	vld [tilespmem:$0xF380];
	v16 =	vcvt.f32.s32 v16;
	v18 =	vsel vm7, $0xFFFFFFFF, v0;
	v8 =	vadd.s32 v62, v8  }
0x182: {  	v31 =	vld [tilespmem:$0xF390];
	v9 =	vadd.s32 v18, v9;
	v18 =	vcvt.f32.s32 v30;
	v8 =	vadd.s32 v2, v8  }
0x183: {  	v33 =	vld [tilespmem:$0xF3A0];
	vm8 =	vlt.f32 v5, v56;
	vm9 =	vlt.f32 v7, v57;
	vm10 =	vlt.f32 v10, v59  }
0x184: {  	v34 =	vld [tilespmem:$0xF3B0];
	v32 =	vsel vm8, $0xFFFFFFFF, v0;
	v9 =	vadd.s32 v2, v9;
	v18 =	vadd.s32 $0x10000, v18  }
0x185: {  	v36 =	vcvt.f32.s32 v17;
	vm11 =	vlt.f32 v12, v63;
	v11 =	vadd.s32 v32, v11;
	[tilespmem:v6+s15+$0x0] =	vst.idx.add.s32.msk $0xffff, v18  }
0x186: {  	v35 =	vsel vm9, $0xFFFFFFFF, v0;
	v11 =	vadd.s32 v2, v11;
	[tilespmem:v6+s16+$0x0] =	vst.idx.add.f32.msk $0xffff, v1;
	v1 =	vadd.s32 $0x10000, v16  }
0x187: {  	v37 =	vsel vm10, $0xFFFFFFFF, v0;
	v13 =	vadd.s32 v35, v13;
	[tilespmem:v8+s15+$0x0] =	vst.idx.add.s32.msk $0xffff, v1;
	v1 =	vtrunc.f32 v29  }
0x188: {  	v13 =	vadd.s32 v2, v13;
	[tilespmem:v8+s16+$0x0] =	vst.idx.add.f32.msk $0xffff, v3;
	v3 =	vadd.s32 $0x10000, v36;
	v1 =	vcvt.f32.s32 v1  }
0x189: {  	v39 =	vsel vm11, $0xFFFFFFFF, v0;
	v14 =	vadd.s32 v37, v14;
	[tilespmem:v9+s15+$0x0] =	vst.idx.add.s32.msk $0xffff, v3;
	v3 =	vtrunc.f32 v31  }
0x18a: {  	v38 =	vadd.s32 v2, v14;
	[tilespmem:v9+s16+$0x0] =	vst.idx.add.f32.msk $0xffff, v4;
	v1 =	vadd.s32 $0x10000, v1;
	v3 =	vcvt.f32.s32 v3  }
0x18b: {  	v40 =	vadd.s32 v39, v15;
	[tilespmem:v11+s15+$0x0] =	vst.idx.add.s32.msk $0xffff, v1;
	v1 =	vtrunc.f32 v33  }
0x18c: {  	v4 =	vadd.s32 v2, v40;
	[tilespmem:v11+s16+$0x0] =	vst.idx.add.f32.msk $0xffff, v5;
	v3 =	vadd.s32 $0x10000, v3;
	v1 =	vcvt.f32.s32 v1  }
0x18d: {  	[tilespmem:v13+s15+$0x0] =	vst.idx.add.s32.msk $0xffff, v3;
	v3 =	vtrunc.f32 v34  }
0x18e: {  	[tilespmem:v13+s16+$0x0] =	vst.idx.add.f32.msk $0xffff, v7;
	v1 =	vadd.s32 $0x10000, v1;
	v3 =	vcvt.f32.s32 v3  }
0x18f: {  	[tilespmem:v38+s15+$0x0] =	vst.idx.add.s32.msk $0xffff, v1  }
0x190: {  	[tilespmem:v38+s16+$0x0] =	vst.idx.add.f32.msk $0xffff, v10;
	v1 =	vadd.s32 $0x10000, v3  }
0x191: {  	[tilespmem:v4+s15+$0x0] =	vst.idx.add.s32.msk $0xffff, v1  }
0x192: {  	[tilespmem:v4+s16+$0x0] =	vst.idx.add.f32.msk $0xffff, v12  }
0x193: {  	v1 =	vld [tilespmem:$0x7940]  }
0x194: {  	v3 =	vld [tilespmem:$0x7950]  }
0x195: {  	v4 =	vld [tilespmem:$0x7960]  }
0x196: {  	v5 =	vld [tilespmem:$0x7970]  }
0x197: {  	v7 =	vld [tilespmem:$0x7980]  }
0x198: {  	v10 =	vld [tilespmem:$0x7990]  }
0x199: {  	v12 =	vld [tilespmem:$0x79A0]  }
0x19a: {  	v41 =	vmul.f32 $1.500000000e+01, v1  }
0x19b: {  	v42 =	vmul.f32 $1.500000000e+01, v3;
	v43 =	vmul.f32 $1.500000000e+01, v4  }
0x19c: {  	v44 =	vmul.f32 $1.500000000e+01, v5;
	v45 =	vmul.f32 $1.500000000e+01, v7  }
0x19d: {  	v46 =	vmul.f32 $1.500000000e+01, v10;
	v6 =	vtrunc.f32 v41  }
0x19e: {  	v47 =	vmul.f32 $1.500000000e+01, v12;
	v6 =	vcvt.f32.s32 v6  }
0x19f: {  	v8 =	vtrunc.f32 v42;
	v9 =	vtrunc.f32 v43  }
0x1a0: {  	v11 =	vtrunc.f32 v44;
	v8 =	vcvt.f32.s32 v8;
	vm12 =	vlt.s32 v6, $0xE  }
0x1a1: {  	v13 =	vtrunc.f32 v45;
	v9 =	vcvt.f32.s32 v9;
	v6 =	vnsel vm12, $0xE, v6  }
0x1a2: {  	v14 =	vtrunc.f32 v46;
	v11 =	vcvt.f32.s32 v11;
	vm13 =	vlt.s32 v8, $0xE  }
0x1a3: {  	v13 =	vcvt.f32.s32 v13;
	vm14 =	vlt.s32 v9, $0xE;
	v8 =	vnsel vm13, $0xE, v8  }
0x1a4: {  	v52 =	vld [tilespmem:$0xF3C0];
	v14 =	vcvt.f32.s32 v14;
	vm15 =	vlt.s32 v11, $0xE;
	v9 =	vnsel vm14, $0xE, v9  }
0x1a5: {  	v54 =	vld [tilespmem:$0xF3D0];
	v15 =	vtrunc.f32 v47;
	vm4 =	vlt.s32 v13, $0xE;
	v11 =	vnsel vm15, $0xE, v11  }
0x1a6: {  	v15 =	vcvt.f32.s32 v15;
	vm5 =	vlt.s32 v14, $0xE;
	v13 =	vnsel vm4, $0xE, v13;
	v48 =	vld.idx.msk [tilespmem:v6+s10+$0x0], $0xffff  }
0x1a7: {  	v58 =	vld [tilespmem:$0xF3E0];
	v14 =	vnsel vm5, $0xE, v14  }
0x1a8: {  	vm6 =	vlt.s32 v15, $0xE;
	v49 =	vld.idx.msk [tilespmem:v8+s10+$0x0], $0xffff  }
0x1a9: {  	v15 =	vnsel vm6, $0xE, v15;
	v18 =	vld.idx.msk [tilespmem:v9+s10+$0x0], $0xffff  }
0x1aa: {  	v50 =	vld.idx.msk [tilespmem:v11+s10+$0x0], $0xffff  }
0x1ab: {  	v51 =	vld.idx.msk [tilespmem:v13+s10+$0x0], $0xffff;
	vm7 =	vlt.f32 v1, v48  }
0x1ac: {  	v60 =	vtrunc.f32 v52;
	v16 =	vtrunc.f32 v54;
	v53 =	vld.idx.msk [tilespmem:v14+s10+$0x0], $0xffff;
	v55 =	vsel vm7, $0xFFFFFFFF, v0  }
0x1ad: {  	v17 =	vtrunc.f32 v58;
	vm8 =	vlt.f32 v3, v49;
	v6 =	vadd.s32 v55, v6  }
0x1ae: {  	v57 =	vld.idx.msk [tilespmem:v15+s10+$0x0], $0xffff;
	vm9 =	vlt.f32 v4, v18;
	v56 =	vsel vm8, $0xFFFFFFFF, v0;
	v6 =	vadd.s32 v2, v6  }
0x1af: {  	v59 =	vld [tilespmem:$0xF3F0];
	v16 =	vcvt.f32.s32 v16;
	v18 =	vsel vm9, $0xFFFFFFFF, v0;
	v8 =	vadd.s32 v56, v8  }
0x1b0: {  	v61 =	vld [tilespmem:$0xF400];
	v9 =	vadd.s32 v18, v9;
	v18 =	vcvt.f32.s32 v60;
	v8 =	vadd.s32 v2, v8  }
0x1b1: {  	v63 =	vld [tilespmem:$0xF410];
	vm10 =	vlt.f32 v5, v50;
	vm11 =	vlt.f32 v7, v51;
	vm12 =	vlt.f32 v10, v53  }
0x1b2: {  	v28 =	vld [tilespmem:$0xF420];
	v62 =	vsel vm10, $0xFFFFFFFF, v0;
	v9 =	vadd.s32 v2, v9;
	v18 =	vadd.s32 $0x10000, v18  }
0x1b3: {  	v30 =	vcvt.f32.s32 v17;
	vm13 =	vlt.f32 v12, v57;
	v11 =	vadd.s32 v62, v11;
	[tilespmem:v6+s15+$0x0] =	vst.idx.add.s32.msk $0xffff, v18  }
0x1b4: {  	v29 =	vsel vm11, $0xFFFFFFFF, v0;
	v11 =	vadd.s32 v2, v11;
	[tilespmem:v6+s16+$0x0] =	vst.idx.add.f32.msk $0xffff, v1;
	v1 =	vadd.s32 $0x10000, v16  }
0x1b5: {  	v31 =	vsel vm12, $0xFFFFFFFF, v0;
	v13 =	vadd.s32 v29, v13;
	[tilespmem:v8+s15+$0x0] =	vst.idx.add.s32.msk $0xffff, v1;
	v1 =	vtrunc.f32 v59  }
0x1b6: {  	v13 =	vadd.s32 v2, v13;
	[tilespmem:v8+s16+$0x0] =	vst.idx.add.f32.msk $0xffff, v3;
	v3 =	vadd.s32 $0x10000, v30;
	v1 =	vcvt.f32.s32 v1  }
0x1b7: {  	v33 =	vsel vm13, $0xFFFFFFFF, v0;
	v14 =	vadd.s32 v31, v14;
	[tilespmem:v9+s15+$0x0] =	vst.idx.add.s32.msk $0xffff, v3;
	v3 =	vtrunc.f32 v61  }
0x1b8: {  	v32 =	vadd.s32 v2, v14;
	[tilespmem:v9+s16+$0x0] =	vst.idx.add.f32.msk $0xffff, v4;
	v1 =	vadd.s32 $0x10000, v1;
	v3 =	vcvt.f32.s32 v3  }
0x1b9: {  	v34 =	vadd.s32 v33, v15;
	[tilespmem:v11+s15+$0x0] =	vst.idx.add.s32.msk $0xffff, v1;
	v1 =	vtrunc.f32 v63  }
0x1ba: {  	v4 =	vadd.s32 v2, v34;
	[tilespmem:v11+s16+$0x0] =	vst.idx.add.f32.msk $0xffff, v5;
	v3 =	vadd.s32 $0x10000, v3;
	v1 =	vcvt.f32.s32 v1  }
0x1bb: {  	[tilespmem:v13+s15+$0x0] =	vst.idx.add.s32.msk $0xffff, v3;
	v3 =	vtrunc.f32 v28  }
0x1bc: {  	[tilespmem:v13+s16+$0x0] =	vst.idx.add.f32.msk $0xffff, v7;
	v1 =	vadd.s32 $0x10000, v1;
	v3 =	vcvt.f32.s32 v3  }
0x1bd: {  	[tilespmem:v32+s15+$0x0] =	vst.idx.add.s32.msk $0xffff, v1  }
0x1be: {  	[tilespmem:v32+s16+$0x0] =	vst.idx.add.f32.msk $0xffff, v10;
	v1 =	vadd.s32 $0x10000, v3  }
0x1bf: {  	[tilespmem:v4+s15+$0x0] =	vst.idx.add.s32.msk $0xffff, v1  }
0x1c0: {  	[tilespmem:v4+s16+$0x0] =	vst.idx.add.f32.msk $0xffff, v12  }
0x1c1: {  	v1 =	vld [tilespmem:$0x79B0]  }
0x1c2: {  	v3 =	vld [tilespmem:$0x79C0]  }
0x1c3: {  	v4 =	vld [tilespmem:$0x79D0]  }
0x1c4: {  	v5 =	vld [tilespmem:$0x79E0]  }
0x1c5: {  	v7 =	vld [tilespmem:$0x79F0]  }
0x1c6: {  	v10 =	vld [tilespmem:$0x7A00]  }
0x1c7: {  	v12 =	vld [tilespmem:$0x7A10];
	_ =	sdelay $0x1  }
0x1c8: {  	v35 =	vmul.f32 $1.500000000e+01, v1  }
0x1c9: {  	v36 =	vmul.f32 $1.500000000e+01, v3;
	v37 =	vmul.f32 $1.500000000e+01, v4  }
0x1ca: {  	v38 =	vmul.f32 $1.500000000e+01, v5;
	v39 =	vmul.f32 $1.500000000e+01, v7  }
0x1cb: {  	v40 =	vmul.f32 $1.500000000e+01, v10;
	v41 =	vmul.f32 $1.500000000e+01, v12  }
0x1cc: {  	v6 =	vtrunc.f32 v35;
	v8 =	vtrunc.f32 v36  }
0x1cd: {  	v9 =	vtrunc.f32 v37;
	v11 =	vtrunc.f32 v38  }
0x1ce: {  	v13 =	vtrunc.f32 v39;
	v6 =	vcvt.f32.s32 v6  }
0x1cf: {  	v14 =	vtrunc.f32 v40;
	v8 =	vcvt.f32.s32 v8  }
0x1d0: {  	v15 =	vtrunc.f32 v41;
	v9 =	vcvt.f32.s32 v9;
	vm14 =	vlt.s32 v6, $0xE  }
0x1d1: {  	v11 =	vcvt.f32.s32 v11;
	vm15 =	vlt.s32 v8, $0xE;
	v6 =	vnsel vm14, $0xE, v6  }
0x1d2: {  	v13 =	vcvt.f32.s32 v13;
	vm4 =	vlt.s32 v9, $0xE;
	v8 =	vnsel vm15, $0xE, v8  }
0x1d3: {  	v14 =	vcvt.f32.s32 v14;
	vm5 =	vlt.s32 v11, $0xE;
	v9 =	vnsel vm4, $0xE, v9  }
0x1d4: {  	v46 =	vld [tilespmem:$0xF430];
	v15 =	vcvt.f32.s32 v15;
	vm6 =	vlt.s32 v13, $0xE;
	v11 =	vnsel vm5, $0xE, v11  }
0x1d5: {  	v48 =	vld [tilespmem:$0xF440];
	vm7 =	vlt.s32 v14, $0xE;
	v13 =	vnsel vm6, $0xE, v13  }
0x1d6: {  	vm8 =	vlt.s32 v15, $0xE;
	v14 =	vnsel vm7, $0xE, v14;
	v42 =	vld.idx.msk [tilespmem:v6+s10+$0x0], $0xffff  }
0x1d7: {  	v15 =	vnsel vm8, $0xE, v15;
	v43 =	vld.idx.msk [tilespmem:v8+s10+$0x0], $0xffff  }
0x1d8: {  	v18 =	vld.idx.msk [tilespmem:v9+s10+$0x0], $0xffff  }
0x1d9: {  	v44 =	vld.idx.msk [tilespmem:v11+s10+$0x0], $0xffff  }
0x1da: {  	v45 =	vld.idx.msk [tilespmem:v13+s10+$0x0], $0xffff  }
0x1db: {  	v47 =	vld.idx.msk [tilespmem:v14+s10+$0x0], $0xffff;
	vm9 =	vlt.f32 v1, v42  }
0x1dc: {  	v53 =	vtrunc.f32 v46;
	v17 =	vtrunc.f32 v48;
	v50 =	vld.idx.msk [tilespmem:v15+s10+$0x0], $0xffff;
	v16 =	vsel vm9, $0xFFFFFFFF, v0  }
0x1dd: {  	v17 =	vcvt.f32.s32 v17;
	vm10 =	vlt.f32 v3, v43;
	v6 =	vadd.s32 v16, v6  }
0x1de: {  	v51 =	vld [tilespmem:$0xF450];
	vm11 =	vlt.f32 v4, v18;
	v49 =	vsel vm10, $0xFFFFFFFF, v0;
	v6 =	vadd.s32 v2, v6  }
0x1df: {  	v52 =	vld [tilespmem:$0xF460];
	vm12 =	vlt.f32 v5, v44;
	v18 =	vsel vm11, $0xFFFFFFFF, v0;
	v8 =	vadd.s32 v49, v8  }
0x1e0: {  	v54 =	vld [tilespmem:$0xF470];
	v9 =	vadd.s32 v18, v9;
	v18 =	vcvt.f32.s32 v53;
	v8 =	vadd.s32 v2, v8  }
0x1e1: {  	v56 =	vld [tilespmem:$0xF480];
	vm13 =	vlt.f32 v7, v45;
	vm14 =	vlt.f32 v10, v47;
	vm15 =	vlt.f32 v12, v50  }
0x1e2: {  	v57 =	vld [tilespmem:$0xF490];
	v55 =	vsel vm12, $0xFFFFFFFF, v0;
	v9 =	vadd.s32 v2, v9;
	v18 =	vadd.s32 $0x10000, v18  }
0x1e3: {  	v58 =	vsel vm13, $0xFFFFFFFF, v0;
	v11 =	vadd.s32 v55, v11;
	v16 =	vtrunc.f32 v51;
	[tilespmem:v6+s15+$0x0] =	vst.idx.add.s32.msk $0xffff, v18  }
0x1e4: {  	v11 =	vadd.s32 v2, v11;
	v59 =	vcvt.f32.s32 v16;
	[tilespmem:v6+s16+$0x0] =	vst.idx.add.f32.msk $0xffff, v1;
	v1 =	vadd.s32 $0x10000, v17  }
0x1e5: {  	v60 =	vsel vm14, $0xFFFFFFFF, v0;
	v13 =	vadd.s32 v58, v13;
	[tilespmem:v8+s15+$0x0] =	vst.idx.add.s32.msk $0xffff, v1;
	v1 =	vtrunc.f32 v52  }
0x1e6: {  	v13 =	vadd.s32 v2, v13;
	[tilespmem:v8+s16+$0x0] =	vst.idx.add.f32.msk $0xffff, v3;
	v3 =	vadd.s32 $0x10000, v59;
	v1 =	vcvt.f32.s32 v1  }
0x1e7: {  	v62 =	vsel vm15, $0xFFFFFFFF, v0;
	v14 =	vadd.s32 v60, v14;
	[tilespmem:v9+s15+$0x0] =	vst.idx.add.s32.msk $0xffff, v3;
	v3 =	vtrunc.f32 v54  }
0x1e8: {  	v61 =	vadd.s32 v2, v14;
	[tilespmem:v9+s16+$0x0] =	vst.idx.add.f32.msk $0xffff, v4;
	v1 =	vadd.s32 $0x10000, v1;
	v3 =	vcvt.f32.s32 v3  }
0x1e9: {  	v63 =	vadd.s32 v62, v15;
	[tilespmem:v11+s15+$0x0] =	vst.idx.add.s32.msk $0xffff, v1;
	v1 =	vtrunc.f32 v56  }
0x1ea: {  	v4 =	vadd.s32 v2, v63;
	[tilespmem:v11+s16+$0x0] =	vst.idx.add.f32.msk $0xffff, v5;
	v3 =	vadd.s32 $0x10000, v3;
	v1 =	vcvt.f32.s32 v1  }
0x1eb: {  	[tilespmem:v13+s15+$0x0] =	vst.idx.add.s32.msk $0xffff, v3;
	v3 =	vtrunc.f32 v57  }
.Ltmp4:
0x1ec: {  	[tilespmem:v13+s16+$0x0] =	vst.idx.add.f32.msk $0xffff, v7;
	v1 =	vadd.s32 $0x10000, v1;
	v3 =	vcvt.f32.s32 v3;
	(pc) =	sbr.rel .LBB2_5-.Ltmp4, $4  }
0x1ed: {  	[tilespmem:v61+s15+$0x0] =	vst.idx.add.s32.msk $0xffff, v1  }
0x1ee: {  	[tilespmem:v61+s16+$0x0] =	vst.idx.add.f32.msk $0xffff, v10;
	v1 =	vadd.s32 $0x10000, v3  }
0x1ef: {  	[tilespmem:v4+s15+$0x0] =	vst.idx.add.s32.msk $0xffff, v1  }
0x1f0: {  	[tilespmem:v4+s16+$0x0] =	vst.idx.add.f32.msk $0xffff, v12  }
.LBB2_6:
0x1f1: {  	_ =	sfence.sel $0x180000  }
0x1f2: {  	[bflag:$0x0] =	sbarrier.arrive $0xFFFF  }
0x1f3: {  	p0 =	sne.s32 s1, $0x0;
	_ =	strace $0x90000047  }
0x1f4: {  	s0 =	sadd.s32 @!p0 $0x100000, s0;
	[bflag:$0x2] =	sbarrier.arrive $0xFFFF  }
0x1f5: {  	[sflag:s0] =	ssyncadd.tile.s32 @!p0 $0x1;
	_ =	shalt  }
.Lfunc_end2:
_tile_overlayer_lowered:
.L_overlay_start_2:
0x1f6: {  	(tag) =	ssettag $0x2  }
0x1f7: {  	s0 =	rddreg [dreg:$0x0];
	s2 =	stileid.u32  }
0x1f8: {  	s1 =	rddreg [dreg:$0x1];
	p0 =	sne.s32 s2, $0x0  }
0x1f9: {  	s3 =	rddreg [dreg:$0x2];
	[bflag:$0x3] =	sbarrier.arrive $0xFFFF;
	s2 =	simm.s32 @!p0 $0x1C06  }
0x1fa: {  	[timem:s3], [sflag:s2] =	dma.local @!p0 [hbm:s0], s1  }
0x1fb: {  	s0 =	simm.s32 @!p0 $0x6  }
0x1fc: {  	_ =	swait.ge @!p0 [sflag:s0], s1  }
0x1fd: {  	s1 =	ssub.s32 @!p0 $0x0, s1;
	[sflag:s0] =	ssyncset.done @!p0 $0x0  }
0x1fe: {  	[sflag:s0] =	ssyncadd.s32 @!p0 s1  }
0x1ff: {  	[bflag:$0x3] =	sbarrier.arrive $0xFFFF  }
0x200: {  	_ =	shalt  }

</sc_bundles>
